<compile_context>
chip_gen: v7x
topology: tpu7x:2x2x1
jax: 0.10.2.dev20260603
libtpu: 0.0.44.dev20260713+nightly
codegen_flags: <defaults>
</compile_context>

<pallas_src>
import functools

import jax
import jax.numpy as jnp
from jax import lax
from jax.experimental import pallas as pl
from jax.experimental.pallas import tpu as pltpu
from jax.experimental.pallas import tpu_sc as plsc

N = 10000
E = 320000
D = 128
NB = 79
NP = NB * 128
NC = 2
NS = 16
NW = NC * NS
ET = E // 128
ETB = ET // NW
EXW = ET - ETB * NW
EMAX = (ETB + 1) * 128

_mesh = plsc.VectorSubcoreMesh(core_axis_name="c", subcore_axis_name="s")


def _edge_slab(wid):
    ntiles = ETB + jnp.where(wid >= NW - EXW, 1, 0).astype(jnp.int32)
    off = 128 * (ETB * wid + jnp.maximum(wid - (NW - EXW), 0))
    return pl.multiple_of(off, 128), ntiles


@functools.partial(
    pl.kernel,
    mesh=_mesh,
    out_type=jax.ShapeDtypeStruct((NW, NP), jnp.float32),
    scratch_types=[
        pltpu.VMEM((2, EMAX), jnp.int32),
        pltpu.VMEM((NP,), jnp.float32),
        pltpu.SemaphoreType.DMA,
    ],
    compiler_params=pltpu.CompilerParams(needs_layout_passes=False),
)
def _sc_degree(ei_hbm, out_hbm, ei_v, acc_v, sem):
    wid = lax.axis_index("s") * NC + lax.axis_index("c")
    off, ntiles = _edge_slab(wid)
    cp = pltpu.async_copy(ei_hbm.at[:, pl.ds(off, EMAX)], ei_v, sem)

    zeros = jnp.zeros((16,), jnp.float32)

    def zbody(i, carry):
        base = i * 128
        for k in range(8):
            acc_v[pl.ds(base + k * 16, 16)] = zeros
        return carry

    lax.fori_loop(0, NP // 128, zbody, 0)
    cp.wait()

    ones = jnp.ones((16,), jnp.float32)

    def body(i, carry):
        base = i * 128
        for k in range(8):
            idx = ei_v[1, pl.ds(base + k * 16, 16)]
            plsc.addupdate_scatter(acc_v, [idx], ones)
        return carry

    lax.fori_loop(0, ntiles, body, 0)
    pltpu.sync_copy(acc_v, out_hbm.at[wid])


@functools.partial(
    pl.kernel,
    mesh=_mesh,
    out_type=jax.ShapeDtypeStruct((NW, NP), jnp.float32),
    scratch_types=[
        pltpu.VMEM((2, EMAX), jnp.int32),
        pltpu.VMEM((N,), jnp.float32),
        pltpu.VMEM((NP,), jnp.float32),
        pltpu.SemaphoreType.DMA,
    ],
    compiler_params=pltpu.CompilerParams(needs_layout_passes=False),
)
def _sc_aggregate(ei_hbm, v_hbm, out_hbm, ei_v, vv, acc_v, sem):
    wid = lax.axis_index("s") * NC + lax.axis_index("c")
    off, ntiles = _edge_slab(wid)
    c1 = pltpu.async_copy(ei_hbm.at[:, pl.ds(off, EMAX)], ei_v, sem)
    c2 = pltpu.async_copy(v_hbm, vv, sem)

    zeros = jnp.zeros((16,), jnp.float32)

    def zbody(i, carry):
        base = i * 128
        for k in range(8):
            acc_v[pl.ds(base + k * 16, 16)] = zeros
        return carry

    lax.fori_loop(0, NP // 128, zbody, 0)
    c1.wait()
    c2.wait()

    def body(i, carry):
        base = i * 128
        vals = []
        for k in range(8):
            s16 = ei_v[0, pl.ds(base + k * 16, 16)]
            vals.append(plsc.load_gather(vv, [s16]))
        for k in range(8):
            d16 = ei_v[1, pl.ds(base + k * 16, 16)]
            plsc.addupdate_scatter(acc_v, [d16], vals[k])
        return carry

    lax.fori_loop(0, ntiles, body, 0)
    pltpu.sync_copy(acc_v, out_hbm.at[wid])


def _tc_xw_body(x_ref, w_ref, o_ref):
    r = lax.dot_general(
        x_ref[...], w_ref[...],
        dimension_numbers=(((1,), (0,)), ((), ())),
        preferred_element_type=jnp.float32,
    )
    o_ref[...] = r.reshape(N)


_tc_xw = pl.pallas_call(
    _tc_xw_body,
    out_shape=jax.ShapeDtypeStruct((N,), jnp.float32),
)


def _tc_prep2_body(cnt_ref, xw_ref, v_ref, dinv_ref):
    deg = jnp.sum(cnt_ref[...], axis=0)[:N] + 1.0
    dinv = lax.rsqrt(deg)
    dinv_ref[...] = dinv
    v_ref[...] = xw_ref[...] * dinv


_tc_prep2 = pl.pallas_call(
    _tc_prep2_body,
    out_shape=[
        jax.ShapeDtypeStruct((N,), jnp.float32),
        jax.ShapeDtypeStruct((N,), jnp.float32),
    ],
)


def _tc_fin_body(p_ref, v_ref, dinv_ref, o_ref):
    o_ref[...] = dinv_ref[...] * (jnp.sum(p_ref[...], axis=0)[:N] + v_ref[...])


_tc_fin = pl.pallas_call(
    _tc_fin_body,
    out_shape=jax.ShapeDtypeStruct((N,), jnp.float32),
)


def kernel(x, edge_index, W):
    xw = _tc_xw(x, W)
    counts = _sc_degree(edge_index)
    v, dinv = _tc_prep2(counts, xw)
    parts = _sc_aggregate(edge_index, v)
    return _tc_fin(parts, v, dinv)

# --- scband reference (transcript-rebuilt; emitter-appended) ---
"""Pipeline reference for scband-model-gcn-13151189860858 (READ-ONLY COPY).

The authoritative reference and input builder live on the scoring server;
editing this copy changes nothing except your own understanding.
"""

import jax, jax.numpy as jnp
import numpy as np

N = 10000
E = 320000
D = 128
OUT = 1


def setup_inputs(seed: int = 0) -> dict:
    key = jax.random.key(seed)
    k1, k2, k3 = jax.random.split(key, 3)
    x = jax.random.normal(k1, (N, D), dtype=jnp.float32)
    edge_index = jax.random.randint(k2, (2, E), 0, N, dtype=jnp.int32)
    # GCNConv linear weight, bias=False: W maps d -> out_d
    W = jax.random.normal(k3, (D, OUT), dtype=jnp.float32) * (1.0 / np.sqrt(D))
    return {"x": x, "edge_index": edge_index, "W": W}


def reference(x, edge_index, W):
    # Faithful GCNConv (torch_geometric) with add_self_loops=True, normalize=True, bias=False
    n = x.shape[0]
    src = edge_index[0]
    dst = edge_index[1]
    loop = jnp.arange(n, dtype=src.dtype)
    src2 = jnp.concatenate([src, loop])
    dst2 = jnp.concatenate([dst, loop])
    # symmetric normalization: deg computed on destination nodes (with self loops)
    deg = jax.ops.segment_sum(jnp.ones(src2.shape[0], dtype=x.dtype), dst2, num_segments=n)
    dinv = jnp.where(deg > 0, 1.0 / jnp.sqrt(deg), 0.0)
    norm = dinv[src2] * dinv[dst2]
    xw = x @ W  # linear transform first (out_d < d)
    msg = jnp.take(xw, src2, axis=0) * norm[:, None]  # gather + scale
    out = jax.ops.segment_sum(msg, dst2, num_segments=n)  # scatter-add aggregate
    return out.squeeze(-1)

if __name__ == "__main__":
    import jax
    _d = setup_inputs()
    print(jax.jit(kernel)(*tuple(_d.values())))

</pallas_src>

<mosaic_0001>
#map = affine_map<(d0, d1) -> (0, 0)>
module attributes {stable_mosaic.version = 14 : i64} {
  func.func @_sc_degree(%arg0: i32, %arg1: i32, %arg2: memref<2x320000xi32, #tpu.memory_space<hbm>>, %arg3: memref<32x10112xf32, #tpu.memory_space<hbm>>, %arg4: memref<2x10112xi32, #tpu.memory_space<vmem>>, %arg5: memref<10112xf32, #tpu.memory_space<vmem>>, %arg6: memref<!tpu.dma_semaphore, #tpu.memory_space<semaphore_mem>>) attributes {dimension_semantics = [#tpu.dimension_semantics<core_parallel>, #tpu.dimension_semantics<subcore_parallel>], iteration_bounds = array<i64: 2, 16>, scalar_prefetch = 0 : i64, scratch_operands = 3 : i64, tpu.core_type = #tpu.core_type<sc_vector_subcore>, window_params = [{transform_indices = #map}, {transform_indices = #map}]} {
    %mul3A = arith.constant 2 : i32
    %mul3A_0 = arith.muli %arg1, %mul3A : i32
    %add3A = arith.addi %mul3A_0, %arg0 : i32
    %ge3A = arith.constant 28 : i32
    %ge3A_1 = arith.cmpi sge, %add3A, %ge3A : i32
    %jit3A = arith.constant 1 : i32
    %jit3A_2 = arith.constant 0 : i32
    %select_n3A = arith.select %ge3A_1, %jit3A, %jit3A_2 : i32
    %add3A_3 = arith.constant 78 : i32
    %add3A_4 = arith.addi %add3A_3, %select_n3A : i32
    %mul3A_5 = arith.constant 78 : i32
    %mul3A_6 = arith.muli %mul3A_5, %add3A : i32
    %sub3A = arith.constant 28 : i32
    %sub3A_7 = arith.subi %add3A, %sub3A : i32
    %max3A = arith.constant 0 : i32
    %max3A_8 = arith.maxsi %sub3A_7, %max3A : i32
    %add3A_9 = arith.addi %mul3A_6, %max3A_8 : i32
    %mul3A_10 = arith.constant 128 : i32
    %mul3A_11 = arith.muli %mul3A_10, %add3A_9 : i32
    %multiple_of3A = tpu.assume_multiple %mul3A_11, 128 : i32
    %dma_start3A = arith.constant 0 : i32
    %dma_start3A_12 = tpu.memref_slice %arg2[%dma_start3A, %multiple_of3A] : memref<2x320000xi32, #tpu.memory_space<hbm>> -> memref<2x10112xi32, #tpu.memory_space<hbm>>
    %dma_start3A_13 = arith.constant 0 : i32
    %dma_start3A_14 = tpu.memref_slice %arg2[%dma_start3A_13, %multiple_of3A] : memref<2x320000xi32, #tpu.memory_space<hbm>> -> memref<2x10112xi32, #tpu.memory_space<hbm>>
    tpu.enqueue_dma source(%dma_start3A_14 : memref<2x10112xi32, #tpu.memory_space<hbm>>) target(%arg4 : memref<2x10112xi32, #tpu.memory_space<vmem>>) target_semaphore(%arg6 : memref<!tpu.dma_semaphore, #tpu.memory_space<semaphore_mem>>)
    %broadcast_in_dim3A = arith.constant 0.000000e+00 : f32
    %broadcast_in_dim3A_15 = vector.broadcast %broadcast_in_dim3A : f32 to vector<16xf32>
    %scan3A = arith.constant 0 : i32
    %scan3A_16 = arith.constant 0 : i32
    %scan3A_17 = arith.constant 79 : i32
    %scan3A_18 = arith.addi %scan3A_16, %scan3A_17 : i32
    %scan3A_19 = arith.constant 1 : i32
    scf.for %scan3A_35 = %scan3A_16 to %scan3A_18 step %scan3A_19  : i32 {
      %mul3A_36 = arith.constant 128 : i32
      %mul3A_37 = arith.muli %scan3A_35, %mul3A_36 : i32
      %add3A_38 = arith.constant 0 : i32
      %add3A_39 = arith.addi %mul3A_37, %add3A_38 : i32
      %swap3A = arith.index_cast %add3A_39 : i32 to index
      %swap3A_40 = tpu.vector_load %arg5[%swap3A] {strides = array<i32>} : memref<10112xf32, #tpu.memory_space<vmem>>, vector<16xf32>,
      tpu.vector_store %arg5[%swap3A], %broadcast_in_dim3A_15 {strides = array<i32>} : memref<10112xf32, #tpu.memory_space<vmem>>, vector<16xf32>,
      %add3A_41 = arith.constant 16 : i32
      %add3A_42 = arith.addi %mul3A_37, %add3A_41 : i32
      %swap3A_43 = arith.index_cast %add3A_42 : i32 to index
      %swap3A_44 = tpu.vector_load %arg5[%swap3A_43] {strides = array<i32>} : memref<10112xf32, #tpu.memory_space<vmem>>, vector<16xf32>,
      tpu.vector_store %arg5[%swap3A_43], %broadcast_in_dim3A_15 {strides = array<i32>} : memref<10112xf32, #tpu.memory_space<vmem>>, vector<16xf32>,
      %add3A_45 = arith.constant 32 : i32
      %add3A_46 = arith.addi %mul3A_37, %add3A_45 : i32
      %swap3A_47 = arith.index_cast %add3A_46 : i32 to index
      %swap3A_48 = tpu.vector_load %arg5[%swap3A_47] {strides = array<i32>} : memref<10112xf32, #tpu.memory_space<vmem>>, vector<16xf32>,
      tpu.vector_store %arg5[%swap3A_47], %broadcast_in_dim3A_15 {strides = array<i32>} : memref<10112xf32, #tpu.memory_space<vmem>>, vector<16xf32>,
      %add3A_49 = arith.constant 48 : i32
      %add3A_50 = arith.addi %mul3A_37, %add3A_49 : i32
      %swap3A_51 = arith.index_cast %add3A_50 : i32 to index
      %swap3A_52 = tpu.vector_load %arg5[%swap3A_51] {strides = array<i32>} : memref<10112xf32, #tpu.memory_space<vmem>>, vector<16xf32>,
      tpu.vector_store %arg5[%swap3A_51], %broadcast_in_dim3A_15 {strides = array<i32>} : memref<10112xf32, #tpu.memory_space<vmem>>, vector<16xf32>,
      %add3A_53 = arith.constant 64 : i32
      %add3A_54 = arith.addi %mul3A_37, %add3A_53 : i32
      %swap3A_55 = arith.index_cast %add3A_54 : i32 to index
      %swap3A_56 = tpu.vector_load %arg5[%swap3A_55] {strides = array<i32>} : memref<10112xf32, #tpu.memory_space<vmem>>, vector<16xf32>,
      tpu.vector_store %arg5[%swap3A_55], %broadcast_in_dim3A_15 {strides = array<i32>} : memref<10112xf32, #tpu.memory_space<vmem>>, vector<16xf32>,
      %add3A_57 = arith.constant 80 : i32
      %add3A_58 = arith.addi %mul3A_37, %add3A_57 : i32
      %swap3A_59 = arith.index_cast %add3A_58 : i32 to index
      %swap3A_60 = tpu.vector_load %arg5[%swap3A_59] {strides = array<i32>} : memref<10112xf32, #tpu.memory_space<vmem>>, vector<16xf32>,
      tpu.vector_store %arg5[%swap3A_59], %broadcast_in_dim3A_15 {strides = array<i32>} : memref<10112xf32, #tpu.memory_space<vmem>>, vector<16xf32>,
      %add3A_61 = arith.constant 96 : i32
      %add3A_62 = arith.addi %mul3A_37, %add3A_61 : i32
      %swap3A_63 = arith.index_cast %add3A_62 : i32 to index
      %swap3A_64 = tpu.vector_load %arg5[%swap3A_63] {strides = array<i32>} : memref<10112xf32, #tpu.memory_space<vmem>>, vector<16xf32>,
      tpu.vector_store %arg5[%swap3A_63], %broadcast_in_dim3A_15 {strides = array<i32>} : memref<10112xf32, #tpu.memory_space<vmem>>, vector<16xf32>,
      %add3A_65 = arith.constant 112 : i32
      %add3A_66 = arith.addi %mul3A_37, %add3A_65 : i32
      %swap3A_67 = arith.index_cast %add3A_66 : i32 to index
      %swap3A_68 = tpu.vector_load %arg5[%swap3A_67] {strides = array<i32>} : memref<10112xf32, #tpu.memory_space<vmem>>, vector<16xf32>,
      tpu.vector_store %arg5[%swap3A_67], %broadcast_in_dim3A_15 {strides = array<i32>} : memref<10112xf32, #tpu.memory_space<vmem>>, vector<16xf32>,
    }
    %scan3A_20 = arith.constant 79 : i32
    %dma_wait3A = arith.constant 0 : i32
    %dma_wait3A_21 = tpu.memref_slice %arg2[%dma_wait3A, %multiple_of3A] : memref<2x320000xi32, #tpu.memory_space<hbm>> -> memref<2x10112xi32, #tpu.memory_space<hbm>>
    %dma_wait3A_22 = arith.constant 0 : i32
    %dma_wait3A_23 = tpu.memref_slice %arg2[%dma_wait3A_22, %multiple_of3A] : memref<2x320000xi32, #tpu.memory_space<hbm>> -> memref<2x10112xi32, #tpu.memory_space<hbm>>
    tpu.wait_dma2 semaphore(%arg6 : memref<!tpu.dma_semaphore, #tpu.memory_space<semaphore_mem>>) src(%dma_wait3A_23 : memref<2x10112xi32, #tpu.memory_space<hbm>>) dst(%arg4 : memref<2x10112xi32, #tpu.memory_space<vmem>>)
    %broadcast_in_dim3A_24 = arith.constant 1.000000e+00 : f32
    %broadcast_in_dim3A_25 = vector.broadcast %broadcast_in_dim3A_24 : f32 to vector<16xf32>
    %while3A = arith.constant 0 : i32
    %while3A_26 = arith.constant 0 : i32
    %while3A_27 = arith.subi %add3A_4, %while3A_26 : i32
    %while3A_28 = arith.addi %while3A_26, %while3A_27 : i32
    %while3A_29 = arith.constant 1 : i32
    %while3A_30 = arith.divsi %while3A_27, %while3A_29 : i32
    %while3A_31 = arith.muli %while3A_30, %while3A_29 : i32
    %while3A_32 = arith.addi %while3A_26, %while3A_31 : i32
    %while3A_33 = arith.constant 1 : i32
    scf.for %while3A_35 = %while3A_26 to %while3A_32 step %while3A_33  : i32 {
      %mul3A_36 = arith.constant 128 : i32
      %mul3A_37 = arith.muli %while3A_35, %mul3A_36 : i32
      %add3A_38 = arith.constant 0 : i32
      %add3A_39 = arith.addi %mul3A_37, %add3A_38 : i32
      %get3A = arith.constant 1 : i32
      %get3A_40 = arith.index_cast %get3A : i32 to index
      %get3A_41 = arith.index_cast %add3A_39 : i32 to index
      %get3A_42 = tpu.vector_load %arg4[%get3A_40, %get3A_41] {strides = array<i32>} : memref<2x10112xi32, #tpu.memory_space<vmem>>, vector<16xi32>,
      tpu.vector_store_idx %arg5[%get3A_42], %broadcast_in_dim3A_25 {add = true} : memref<10112xf32, #tpu.memory_space<vmem>>[vector<16xi32>], vector<16xf32>,
      %add3A_43 = arith.constant 16 : i32
      %add3A_44 = arith.addi %mul3A_37, %add3A_43 : i32
      %get3A_45 = arith.constant 1 : i32
      %get3A_46 = arith.index_cast %get3A_45 : i32 to index
      %get3A_47 = arith.index_cast %add3A_44 : i32 to index
      %get3A_48 = tpu.vector_load %arg4[%get3A_46, %get3A_47] {strides = array<i32>} : memref<2x10112xi32, #tpu.memory_space<vmem>>, vector<16xi32>,
      tpu.vector_store_idx %arg5[%get3A_48], %broadcast_in_dim3A_25 {add = true} : memref<10112xf32, #tpu.memory_space<vmem>>[vector<16xi32>], vector<16xf32>,
      %add3A_49 = arith.constant 32 : i32
      %add3A_50 = arith.addi %mul3A_37, %add3A_49 : i32
      %get3A_51 = arith.constant 1 : i32
      %get3A_52 = arith.index_cast %get3A_51 : i32 to index
      %get3A_53 = arith.index_cast %add3A_50 : i32 to index
      %get3A_54 = tpu.vector_load %arg4[%get3A_52, %get3A_53] {strides = array<i32>} : memref<2x10112xi32, #tpu.memory_space<vmem>>, vector<16xi32>,
      tpu.vector_store_idx %arg5[%get3A_54], %broadcast_in_dim3A_25 {add = true} : memref<10112xf32, #tpu.memory_space<vmem>>[vector<16xi32>], vector<16xf32>,
      %add3A_55 = arith.constant 48 : i32
      %add3A_56 = arith.addi %mul3A_37, %add3A_55 : i32
      %get3A_57 = arith.constant 1 : i32
      %get3A_58 = arith.index_cast %get3A_57 : i32 to index
      %get3A_59 = arith.index_cast %add3A_56 : i32 to index
      %get3A_60 = tpu.vector_load %arg4[%get3A_58, %get3A_59] {strides = array<i32>} : memref<2x10112xi32, #tpu.memory_space<vmem>>, vector<16xi32>,
      tpu.vector_store_idx %arg5[%get3A_60], %broadcast_in_dim3A_25 {add = true} : memref<10112xf32, #tpu.memory_space<vmem>>[vector<16xi32>], vector<16xf32>,
      %add3A_61 = arith.constant 64 : i32
      %add3A_62 = arith.addi %mul3A_37, %add3A_61 : i32
      %get3A_63 = arith.constant 1 : i32
      %get3A_64 = arith.index_cast %get3A_63 : i32 to index
      %get3A_65 = arith.index_cast %add3A_62 : i32 to index
      %get3A_66 = tpu.vector_load %arg4[%get3A_64, %get3A_65] {strides = array<i32>} : memref<2x10112xi32, #tpu.memory_space<vmem>>, vector<16xi32>,
      tpu.vector_store_idx %arg5[%get3A_66], %broadcast_in_dim3A_25 {add = true} : memref<10112xf32, #tpu.memory_space<vmem>>[vector<16xi32>], vector<16xf32>,
      %add3A_67 = arith.constant 80 : i32
      %add3A_68 = arith.addi %mul3A_37, %add3A_67 : i32
      %get3A_69 = arith.constant 1 : i32
      %get3A_70 = arith.index_cast %get3A_69 : i32 to index
      %get3A_71 = arith.index_cast %add3A_68 : i32 to index
      %get3A_72 = tpu.vector_load %arg4[%get3A_70, %get3A_71] {strides = array<i32>} : memref<2x10112xi32, #tpu.memory_space<vmem>>, vector<16xi32>,
      tpu.vector_store_idx %arg5[%get3A_72], %broadcast_in_dim3A_25 {add = true} : memref<10112xf32, #tpu.memory_space<vmem>>[vector<16xi32>], vector<16xf32>,
      %add3A_73 = arith.constant 96 : i32
      %add3A_74 = arith.addi %mul3A_37, %add3A_73 : i32
      %get3A_75 = arith.constant 1 : i32
      %get3A_76 = arith.index_cast %get3A_75 : i32 to index
      %get3A_77 = arith.index_cast %add3A_74 : i32 to index
      %get3A_78 = tpu.vector_load %arg4[%get3A_76, %get3A_77] {strides = array<i32>} : memref<2x10112xi32, #tpu.memory_space<vmem>>, vector<16xi32>,
      tpu.vector_store_idx %arg5[%get3A_78], %broadcast_in_dim3A_25 {add = true} : memref<10112xf32, #tpu.memory_space<vmem>>[vector<16xi32>], vector<16xf32>,
      %add3A_79 = arith.constant 112 : i32
      %add3A_80 = arith.addi %mul3A_37, %add3A_79 : i32
      %get3A_81 = arith.constant 1 : i32
      %get3A_82 = arith.index_cast %get3A_81 : i32 to index
      %get3A_83 = arith.index_cast %add3A_80 : i32 to index
      %get3A_84 = tpu.vector_load %arg4[%get3A_82, %get3A_83] {strides = array<i32>} : memref<2x10112xi32, #tpu.memory_space<vmem>>, vector<16xi32>,
      tpu.vector_store_idx %arg5[%get3A_84], %broadcast_in_dim3A_25 {add = true} : memref<10112xf32, #tpu.memory_space<vmem>>[vector<16xi32>], vector<16xf32>,
    }
    %while3A_34 = arith.constant 1 : i32
    scf.for %while3A_35 = %while3A_32 to %while3A_28 step %while3A_34  : i32 {
      %mul3A_36 = arith.constant 128 : i32
      %mul3A_37 = arith.muli %while3A_35, %mul3A_36 : i32
      %add3A_38 = arith.constant 0 : i32
      %add3A_39 = arith.addi %mul3A_37, %add3A_38 : i32
      %get3A = arith.constant 1 : i32
      %get3A_40 = arith.index_cast %get3A : i32 to index
      %get3A_41 = arith.index_cast %add3A_39 : i32 to index
      %get3A_42 = tpu.vector_load %arg4[%get3A_40, %get3A_41] {strides = array<i32>} : memref<2x10112xi32, #tpu.memory_space<vmem>>, vector<16xi32>,
      tpu.vector_store_idx %arg5[%get3A_42], %broadcast_in_dim3A_25 {add = true} : memref<10112xf32, #tpu.memory_space<vmem>>[vector<16xi32>], vector<16xf32>,
      %add3A_43 = arith.constant 16 : i32
      %add3A_44 = arith.addi %mul3A_37, %add3A_43 : i32
      %get3A_45 = arith.constant 1 : i32
      %get3A_46 = arith.index_cast %get3A_45 : i32 to index
      %get3A_47 = arith.index_cast %add3A_44 : i32 to index
      %get3A_48 = tpu.vector_load %arg4[%get3A_46, %get3A_47] {strides = array<i32>} : memref<2x10112xi32, #tpu.memory_space<vmem>>, vector<16xi32>,
      tpu.vector_store_idx %arg5[%get3A_48], %broadcast_in_dim3A_25 {add = true} : memref<10112xf32, #tpu.memory_space<vmem>>[vector<16xi32>], vector<16xf32>,
      %add3A_49 = arith.constant 32 : i32
      %add3A_50 = arith.addi %mul3A_37, %add3A_49 : i32
      %get3A_51 = arith.constant 1 : i32
      %get3A_52 = arith.index_cast %get3A_51 : i32 to index
      %get3A_53 = arith.index_cast %add3A_50 : i32 to index
      %get3A_54 = tpu.vector_load %arg4[%get3A_52, %get3A_53] {strides = array<i32>} : memref<2x10112xi32, #tpu.memory_space<vmem>>, vector<16xi32>,
      tpu.vector_store_idx %arg5[%get3A_54], %broadcast_in_dim3A_25 {add = true} : memref<10112xf32, #tpu.memory_space<vmem>>[vector<16xi32>], vector<16xf32>,
      %add3A_55 = arith.constant 48 : i32
      %add3A_56 = arith.addi %mul3A_37, %add3A_55 : i32
      %get3A_57 = arith.constant 1 : i32
      %get3A_58 = arith.index_cast %get3A_57 : i32 to index
      %get3A_59 = arith.index_cast %add3A_56 : i32 to index
      %get3A_60 = tpu.vector_load %arg4[%get3A_58, %get3A_59] {strides = array<i32>} : memref<2x10112xi32, #tpu.memory_space<vmem>>, vector<16xi32>,
      tpu.vector_store_idx %arg5[%get3A_60], %broadcast_in_dim3A_25 {add = true} : memref<10112xf32, #tpu.memory_space<vmem>>[vector<16xi32>], vector<16xf32>,
      %add3A_61 = arith.constant 64 : i32
      %add3A_62 = arith.addi %mul3A_37, %add3A_61 : i32
      %get3A_63 = arith.constant 1 : i32
      %get3A_64 = arith.index_cast %get3A_63 : i32 to index
      %get3A_65 = arith.index_cast %add3A_62 : i32 to index
      %get3A_66 = tpu.vector_load %arg4[%get3A_64, %get3A_65] {strides = array<i32>} : memref<2x10112xi32, #tpu.memory_space<vmem>>, vector<16xi32>,
      tpu.vector_store_idx %arg5[%get3A_66], %broadcast_in_dim3A_25 {add = true} : memref<10112xf32, #tpu.memory_space<vmem>>[vector<16xi32>], vector<16xf32>,
      %add3A_67 = arith.constant 80 : i32
      %add3A_68 = arith.addi %mul3A_37, %add3A_67 : i32
      %get3A_69 = arith.constant 1 : i32
      %get3A_70 = arith.index_cast %get3A_69 : i32 to index
      %get3A_71 = arith.index_cast %add3A_68 : i32 to index
      %get3A_72 = tpu.vector_load %arg4[%get3A_70, %get3A_71] {strides = array<i32>} : memref<2x10112xi32, #tpu.memory_space<vmem>>, vector<16xi32>,
      tpu.vector_store_idx %arg5[%get3A_72], %broadcast_in_dim3A_25 {add = true} : memref<10112xf32, #tpu.memory_space<vmem>>[vector<16xi32>], vector<16xf32>,
      %add3A_73 = arith.constant 96 : i32
      %add3A_74 = arith.addi %mul3A_37, %add3A_73 : i32
      %get3A_75 = arith.constant 1 : i32
      %get3A_76 = arith.index_cast %get3A_75 : i32 to index
      %get3A_77 = arith.index_cast %add3A_74 : i32 to index
      %get3A_78 = tpu.vector_load %arg4[%get3A_76, %get3A_77] {strides = array<i32>} : memref<2x10112xi32, #tpu.memory_space<vmem>>, vector<16xi32>,
      tpu.vector_store_idx %arg5[%get3A_78], %broadcast_in_dim3A_25 {add = true} : memref<10112xf32, #tpu.memory_space<vmem>>[vector<16xi32>], vector<16xf32>,
      %add3A_79 = arith.constant 112 : i32
      %add3A_80 = arith.addi %mul3A_37, %add3A_79 : i32
      %get3A_81 = arith.constant 1 : i32
      %get3A_82 = arith.index_cast %get3A_81 : i32 to index
      %get3A_83 = arith.index_cast %add3A_80 : i32 to index
      %get3A_84 = tpu.vector_load %arg4[%get3A_82, %get3A_83] {strides = array<i32>} : memref<2x10112xi32, #tpu.memory_space<vmem>>, vector<16xi32>,
      tpu.vector_store_idx %arg5[%get3A_84], %broadcast_in_dim3A_25 {add = true} : memref<10112xf32, #tpu.memory_space<vmem>>[vector<16xi32>], vector<16xf32>,
    }
    "tpu.region"() ({
      %run_scoped3A = tpu.sem_alloc : memref<!tpu.dma_semaphore, #tpu.memory_space<semaphore_mem>>
      %dma_start3A_35 = arith.constant 0 : i32
      %dma_start3A_36 = tpu.memref_slice %arg3[%add3A, %dma_start3A_35] : memref<32x10112xf32, #tpu.memory_space<hbm>> -> memref<1x10112xf32, #tpu.memory_space<hbm>>
      %dma_start3A_37 = tpu.memref_squeeze %dma_start3A_36 : memref<1x10112xf32, #tpu.memory_space<hbm>> -> memref<10112xf32, #tpu.memory_space<hbm>>
      %dma_start3A_38 = arith.constant 0 : i32
      %dma_start3A_39 = tpu.memref_slice %arg3[%add3A, %dma_start3A_38] : memref<32x10112xf32, #tpu.memory_space<hbm>> -> memref<1x10112xf32, #tpu.memory_space<hbm>>
      %dma_start3A_40 = tpu.memref_squeeze %dma_start3A_39 : memref<1x10112xf32, #tpu.memory_space<hbm>> -> memref<10112xf32, #tpu.memory_space<hbm>>
      tpu.enqueue_dma source(%arg5 : memref<10112xf32, #tpu.memory_space<vmem>>) target(%dma_start3A_40 : memref<10112xf32, #tpu.memory_space<hbm>>) target_semaphore(%run_scoped3A : memref<!tpu.dma_semaphore, #tpu.memory_space<semaphore_mem>>)
      %dma_wait3A_41 = arith.constant 0 : i32
      %dma_wait3A_42 = tpu.memref_slice %arg3[%add3A, %dma_wait3A_41] : memref<32x10112xf32, #tpu.memory_space<hbm>> -> memref<1x10112xf32, #tpu.memory_space<hbm>>
      %dma_wait3A_43 = tpu.memref_squeeze %dma_wait3A_42 : memref<1x10112xf32, #tpu.memory_space<hbm>> -> memref<10112xf32, #tpu.memory_space<hbm>>
      %dma_wait3A_44 = arith.constant 0 : i32
      %dma_wait3A_45 = tpu.memref_slice %arg3[%add3A, %dma_wait3A_44] : memref<32x10112xf32, #tpu.memory_space<hbm>> -> memref<1x10112xf32, #tpu.memory_space<hbm>>
      %dma_wait3A_46 = tpu.memref_squeeze %dma_wait3A_45 : memref<1x10112xf32, #tpu.memory_space<hbm>> -> memref<10112xf32, #tpu.memory_space<hbm>>
      tpu.wait_dma2 semaphore(%run_scoped3A : memref<!tpu.dma_semaphore, #tpu.memory_space<semaphore_mem>>) src(%arg5 : memref<10112xf32, #tpu.memory_space<vmem>>) dst(%dma_wait3A_46 : memref<10112xf32, #tpu.memory_space<hbm>>)
      tpu.yield
    }) : () -> ()
    return
  }
}

#map = affine_map<(d0, d1) -> (0, 0)>
#map1 = affine_map<(d0, d1) -> (0)>
module attributes {stable_mosaic.version = 14 : i64} {
  func.func @_sc_aggregate(%arg0: i32, %arg1: i32, %arg2: memref<2x320000xi32, #tpu.memory_space<hbm>>, %arg3: memref<10000xf32, #tpu.memory_space<hbm>>, %arg4: memref<32x10112xf32, #tpu.memory_space<hbm>>, %arg5: memref<2x10112xi32, #tpu.memory_space<vmem>>, %arg6: memref<10000xf32, #tpu.memory_space<vmem>>, %arg7: memref<10112xf32, #tpu.memory_space<vmem>>, %arg8: memref<!tpu.dma_semaphore, #tpu.memory_space<semaphore_mem>>) attributes {dimension_semantics = [#tpu.dimension_semantics<core_parallel>, #tpu.dimension_semantics<subcore_parallel>], iteration_bounds = array<i64: 2, 16>, scalar_prefetch = 0 : i64, scratch_operands = 4 : i64, tpu.core_type = #tpu.core_type<sc_vector_subcore>, window_params = [{transform_indices = #map}, {transform_indices = #map1}, {transform_indices = #map}]} {
    %mul3A = arith.constant 2 : i32
    %mul3A_0 = arith.muli %arg1, %mul3A : i32
    %add3A = arith.addi %mul3A_0, %arg0 : i32
    %ge3A = arith.constant 28 : i32
    %ge3A_1 = arith.cmpi sge, %add3A, %ge3A : i32
    %jit3A = arith.constant 1 : i32
    %jit3A_2 = arith.constant 0 : i32
    %select_n3A = arith.select %ge3A_1, %jit3A, %jit3A_2 : i32
    %add3A_3 = arith.constant 78 : i32
    %add3A_4 = arith.addi %add3A_3, %select_n3A : i32
    %mul3A_5 = arith.constant 78 : i32
    %mul3A_6 = arith.muli %mul3A_5, %add3A : i32
    %sub3A = arith.constant 28 : i32
    %sub3A_7 = arith.subi %add3A, %sub3A : i32
    %max3A = arith.constant 0 : i32
    %max3A_8 = arith.maxsi %sub3A_7, %max3A : i32
    %add3A_9 = arith.addi %mul3A_6, %max3A_8 : i32
    %mul3A_10 = arith.constant 128 : i32
    %mul3A_11 = arith.muli %mul3A_10, %add3A_9 : i32
    %multiple_of3A = tpu.assume_multiple %mul3A_11, 128 : i32
    %dma_start3A = arith.constant 0 : i32
    %dma_start3A_12 = tpu.memref_slice %arg2[%dma_start3A, %multiple_of3A] : memref<2x320000xi32, #tpu.memory_space<hbm>> -> memref<2x10112xi32, #tpu.memory_space<hbm>>
    %dma_start3A_13 = arith.constant 0 : i32
    %dma_start3A_14 = tpu.memref_slice %arg2[%dma_start3A_13, %multiple_of3A] : memref<2x320000xi32, #tpu.memory_space<hbm>> -> memref<2x10112xi32, #tpu.memory_space<hbm>>
    tpu.enqueue_dma source(%dma_start3A_14 : memref<2x10112xi32, #tpu.memory_space<hbm>>) target(%arg5 : memref<2x10112xi32, #tpu.memory_space<vmem>>) target_semaphore(%arg8 : memref<!tpu.dma_semaphore, #tpu.memory_space<semaphore_mem>>)
    tpu.enqueue_dma source(%arg3 : memref<10000xf32, #tpu.memory_space<hbm>>) target(%arg6 : memref<10000xf32, #tpu.memory_space<vmem>>) target_semaphore(%arg8 : memref<!tpu.dma_semaphore, #tpu.memory_space<semaphore_mem>>)
    %broadcast_in_dim3A = arith.constant 0.000000e+00 : f32
    %broadcast_in_dim3A_15 = vector.broadcast %broadcast_in_dim3A : f32 to vector<16xf32>
    %scan3A = arith.constant 0 : i32
    %scan3A_16 = arith.constant 0 : i32
    %scan3A_17 = arith.constant 79 : i32
    %scan3A_18 = arith.addi %scan3A_16, %scan3A_17 : i32
    %scan3A_19 = arith.constant 1 : i32
    scf.for %scan3A_33 = %scan3A_16 to %scan3A_18 step %scan3A_19  : i32 {
      %mul3A_34 = arith.constant 128 : i32
      %mul3A_35 = arith.muli %scan3A_33, %mul3A_34 : i32
      %add3A_36 = arith.constant 0 : i32
      %add3A_37 = arith.addi %mul3A_35, %add3A_36 : i32
      %swap3A = arith.index_cast %add3A_37 : i32 to index
      %swap3A_38 = tpu.vector_load %arg7[%swap3A] {strides = array<i32>} : memref<10112xf32, #tpu.memory_space<vmem>>, vector<16xf32>,
      tpu.vector_store %arg7[%swap3A], %broadcast_in_dim3A_15 {strides = array<i32>} : memref<10112xf32, #tpu.memory_space<vmem>>, vector<16xf32>,
      %add3A_39 = arith.constant 16 : i32
      %add3A_40 = arith.addi %mul3A_35, %add3A_39 : i32
      %swap3A_41 = arith.index_cast %add3A_40 : i32 to index
      %swap3A_42 = tpu.vector_load %arg7[%swap3A_41] {strides = array<i32>} : memref<10112xf32, #tpu.memory_space<vmem>>, vector<16xf32>,
      tpu.vector_store %arg7[%swap3A_41], %broadcast_in_dim3A_15 {strides = array<i32>} : memref<10112xf32, #tpu.memory_space<vmem>>, vector<16xf32>,
      %add3A_43 = arith.constant 32 : i32
      %add3A_44 = arith.addi %mul3A_35, %add3A_43 : i32
      %swap3A_45 = arith.index_cast %add3A_44 : i32 to index
      %swap3A_46 = tpu.vector_load %arg7[%swap3A_45] {strides = array<i32>} : memref<10112xf32, #tpu.memory_space<vmem>>, vector<16xf32>,
      tpu.vector_store %arg7[%swap3A_45], %broadcast_in_dim3A_15 {strides = array<i32>} : memref<10112xf32, #tpu.memory_space<vmem>>, vector<16xf32>,
      %add3A_47 = arith.constant 48 : i32
      %add3A_48 = arith.addi %mul3A_35, %add3A_47 : i32
      %swap3A_49 = arith.index_cast %add3A_48 : i32 to index
      %swap3A_50 = tpu.vector_load %arg7[%swap3A_49] {strides = array<i32>} : memref<10112xf32, #tpu.memory_space<vmem>>, vector<16xf32>,
      tpu.vector_store %arg7[%swap3A_49], %broadcast_in_dim3A_15 {strides = array<i32>} : memref<10112xf32, #tpu.memory_space<vmem>>, vector<16xf32>,
      %add3A_51 = arith.constant 64 : i32
      %add3A_52 = arith.addi %mul3A_35, %add3A_51 : i32
      %swap3A_53 = arith.index_cast %add3A_52 : i32 to index
      %swap3A_54 = tpu.vector_load %arg7[%swap3A_53] {strides = array<i32>} : memref<10112xf32, #tpu.memory_space<vmem>>, vector<16xf32>,
      tpu.vector_store %arg7[%swap3A_53], %broadcast_in_dim3A_15 {strides = array<i32>} : memref<10112xf32, #tpu.memory_space<vmem>>, vector<16xf32>,
      %add3A_55 = arith.constant 80 : i32
      %add3A_56 = arith.addi %mul3A_35, %add3A_55 : i32
      %swap3A_57 = arith.index_cast %add3A_56 : i32 to index
      %swap3A_58 = tpu.vector_load %arg7[%swap3A_57] {strides = array<i32>} : memref<10112xf32, #tpu.memory_space<vmem>>, vector<16xf32>,
      tpu.vector_store %arg7[%swap3A_57], %broadcast_in_dim3A_15 {strides = array<i32>} : memref<10112xf32, #tpu.memory_space<vmem>>, vector<16xf32>,
      %add3A_59 = arith.constant 96 : i32
      %add3A_60 = arith.addi %mul3A_35, %add3A_59 : i32
      %swap3A_61 = arith.index_cast %add3A_60 : i32 to index
      %swap3A_62 = tpu.vector_load %arg7[%swap3A_61] {strides = array<i32>} : memref<10112xf32, #tpu.memory_space<vmem>>, vector<16xf32>,
      tpu.vector_store %arg7[%swap3A_61], %broadcast_in_dim3A_15 {strides = array<i32>} : memref<10112xf32, #tpu.memory_space<vmem>>, vector<16xf32>,
      %add3A_63 = arith.constant 112 : i32
      %add3A_64 = arith.addi %mul3A_35, %add3A_63 : i32
      %swap3A_65 = arith.index_cast %add3A_64 : i32 to index
      %swap3A_66 = tpu.vector_load %arg7[%swap3A_65] {strides = array<i32>} : memref<10112xf32, #tpu.memory_space<vmem>>, vector<16xf32>,
      tpu.vector_store %arg7[%swap3A_65], %broadcast_in_dim3A_15 {strides = array<i32>} : memref<10112xf32, #tpu.memory_space<vmem>>, vector<16xf32>,
    }
    %scan3A_20 = arith.constant 79 : i32
    %dma_wait3A = arith.constant 0 : i32
    %dma_wait3A_21 = tpu.memref_slice %arg2[%dma_wait3A, %multiple_of3A] : memref<2x320000xi32, #tpu.memory_space<hbm>> -> memref<2x10112xi32, #tpu.memory_space<hbm>>
    %dma_wait3A_22 = arith.constant 0 : i32
    %dma_wait3A_23 = tpu.memref_slice %arg2[%dma_wait3A_22, %multiple_of3A] : memref<2x320000xi32, #tpu.memory_space<hbm>> -> memref<2x10112xi32, #tpu.memory_space<hbm>>
    tpu.wait_dma2 semaphore(%arg8 : memref<!tpu.dma_semaphore, #tpu.memory_space<semaphore_mem>>) src(%dma_wait3A_23 : memref<2x10112xi32, #tpu.memory_space<hbm>>) dst(%arg5 : memref<2x10112xi32, #tpu.memory_space<vmem>>)
    tpu.wait_dma2 semaphore(%arg8 : memref<!tpu.dma_semaphore, #tpu.memory_space<semaphore_mem>>) src(%arg3 : memref<10000xf32, #tpu.memory_space<hbm>>) dst(%arg6 : memref<10000xf32, #tpu.memory_space<vmem>>)
    %while3A = arith.constant 0 : i32
    %while3A_24 = arith.constant 0 : i32
    %while3A_25 = arith.subi %add3A_4, %while3A_24 : i32
    %while3A_26 = arith.addi %while3A_24, %while3A_25 : i32
    %while3A_27 = arith.constant 1 : i32
    %while3A_28 = arith.divsi %while3A_25, %while3A_27 : i32
    %while3A_29 = arith.muli %while3A_28, %while3A_27 : i32
    %while3A_30 = arith.addi %while3A_24, %while3A_29 : i32
    %while3A_31 = arith.constant 1 : i32
    scf.for %while3A_33 = %while3A_24 to %while3A_30 step %while3A_31  : i32 {
      %mul3A_34 = arith.constant 128 : i32
      %mul3A_35 = arith.muli %while3A_33, %mul3A_34 : i32
      %add3A_36 = arith.constant 0 : i32
      %add3A_37 = arith.addi %mul3A_35, %add3A_36 : i32
      %get3A = arith.constant 0 : i32
      %get3A_38 = arith.index_cast %get3A : i32 to index
      %get3A_39 = arith.index_cast %add3A_37 : i32 to index
      %get3A_40 = tpu.vector_load %arg5[%get3A_38, %get3A_39] {strides = array<i32>} : memref<2x10112xi32, #tpu.memory_space<vmem>>, vector<16xi32>,
      %gather3A = tpu.vector_load_idx %arg6[%get3A_40] : memref<10000xf32, #tpu.memory_space<vmem>>[vector<16xi32>], vector<16xf32>,
      %add3A_41 = arith.constant 16 : i32
      %add3A_42 = arith.addi %mul3A_35, %add3A_41 : i32
      %get3A_43 = arith.constant 0 : i32
      %get3A_44 = arith.index_cast %get3A_43 : i32 to index
      %get3A_45 = arith.index_cast %add3A_42 : i32 to index
      %get3A_46 = tpu.vector_load %arg5[%get3A_44, %get3A_45] {strides = array<i32>} : memref<2x10112xi32, #tpu.memory_space<vmem>>, vector<16xi32>,
      %gather3A_47 = tpu.vector_load_idx %arg6[%get3A_46] : memref<10000xf32, #tpu.memory_space<vmem>>[vector<16xi32>], vector<16xf32>,
      %add3A_48 = arith.constant 32 : i32
      %add3A_49 = arith.addi %mul3A_35, %add3A_48 : i32
      %get3A_50 = arith.constant 0 : i32
      %get3A_51 = arith.index_cast %get3A_50 : i32 to index
      %get3A_52 = arith.index_cast %add3A_49 : i32 to index
      %get3A_53 = tpu.vector_load %arg5[%get3A_51, %get3A_52] {strides = array<i32>} : memref<2x10112xi32, #tpu.memory_space<vmem>>, vector<16xi32>,
      %gather3A_54 = tpu.vector_load_idx %arg6[%get3A_53] : memref<10000xf32, #tpu.memory_space<vmem>>[vector<16xi32>], vector<16xf32>,
      %add3A_55 = arith.constant 48 : i32
      %add3A_56 = arith.addi %mul3A_35, %add3A_55 : i32
      %get3A_57 = arith.constant 0 : i32
      %get3A_58 = arith.index_cast %get3A_57 : i32 to index
      %get3A_59 = arith.index_cast %add3A_56 : i32 to index
      %get3A_60 = tpu.vector_load %arg5[%get3A_58, %get3A_59] {strides = array<i32>} : memref<2x10112xi32, #tpu.memory_space<vmem>>, vector<16xi32>,
      %gather3A_61 = tpu.vector_load_idx %arg6[%get3A_60] : memref<10000xf32, #tpu.memory_space<vmem>>[vector<16xi32>], vector<16xf32>,
      %add3A_62 = arith.constant 64 : i32
      %add3A_63 = arith.addi %mul3A_35, %add3A_62 : i32
      %get3A_64 = arith.constant 0 : i32
      %get3A_65 = arith.index_cast %get3A_64 : i32 to index
      %get3A_66 = arith.index_cast %add3A_63 : i32 to index
      %get3A_67 = tpu.vector_load %arg5[%get3A_65, %get3A_66] {strides = array<i32>} : memref<2x10112xi32, #tpu.memory_space<vmem>>, vector<16xi32>,
      %gather3A_68 = tpu.vector_load_idx %arg6[%get3A_67] : memref<10000xf32, #tpu.memory_space<vmem>>[vector<16xi32>], vector<16xf32>,
      %add3A_69 = arith.constant 80 : i32
      %add3A_70 = arith.addi %mul3A_35, %add3A_69 : i32
      %get3A_71 = arith.constant 0 : i32
      %get3A_72 = arith.index_cast %get3A_71 : i32 to index
      %get3A_73 = arith.index_cast %add3A_70 : i32 to index
      %get3A_74 = tpu.vector_load %arg5[%get3A_72, %get3A_73] {strides = array<i32>} : memref<2x10112xi32, #tpu.memory_space<vmem>>, vector<16xi32>,
      %gather3A_75 = tpu.vector_load_idx %arg6[%get3A_74] : memref<10000xf32, #tpu.memory_space<vmem>>[vector<16xi32>], vector<16xf32>,
      %add3A_76 = arith.constant 96 : i32
      %add3A_77 = arith.addi %mul3A_35, %add3A_76 : i32
      %get3A_78 = arith.constant 0 : i32
      %get3A_79 = arith.index_cast %get3A_78 : i32 to index
      %get3A_80 = arith.index_cast %add3A_77 : i32 to index
      %get3A_81 = tpu.vector_load %arg5[%get3A_79, %get3A_80] {strides = array<i32>} : memref<2x10112xi32, #tpu.memory_space<vmem>>, vector<16xi32>,
      %gather3A_82 = tpu.vector_load_idx %arg6[%get3A_81] : memref<10000xf32, #tpu.memory_space<vmem>>[vector<16xi32>], vector<16xf32>,
      %add3A_83 = arith.constant 112 : i32
      %add3A_84 = arith.addi %mul3A_35, %add3A_83 : i32
      %get3A_85 = arith.constant 0 : i32
      %get3A_86 = arith.index_cast %get3A_85 : i32 to index
      %get3A_87 = arith.index_cast %add3A_84 : i32 to index
      %get3A_88 = tpu.vector_load %arg5[%get3A_86, %get3A_87] {strides = array<i32>} : memref<2x10112xi32, #tpu.memory_space<vmem>>, vector<16xi32>,
      %gather3A_89 = tpu.vector_load_idx %arg6[%get3A_88] : memref<10000xf32, #tpu.memory_space<vmem>>[vector<16xi32>], vector<16xf32>,
      %add3A_90 = arith.constant 0 : i32
      %add3A_91 = arith.addi %mul3A_35, %add3A_90 : i32
      %get3A_92 = arith.constant 1 : i32
      %get3A_93 = arith.index_cast %get3A_92 : i32 to index
      %get3A_94 = arith.index_cast %add3A_91 : i32 to index
      %get3A_95 = tpu.vector_load %arg5[%get3A_93, %get3A_94] {strides = array<i32>} : memref<2x10112xi32, #tpu.memory_space<vmem>>, vector<16xi32>,
      tpu.vector_store_idx %arg7[%get3A_95], %gather3A {add = true} : memref<10112xf32, #tpu.memory_space<vmem>>[vector<16xi32>], vector<16xf32>,
      %add3A_96 = arith.constant 16 : i32
      %add3A_97 = arith.addi %mul3A_35, %add3A_96 : i32
      %get3A_98 = arith.constant 1 : i32
      %get3A_99 = arith.index_cast %get3A_98 : i32 to index
      %get3A_100 = arith.index_cast %add3A_97 : i32 to index
      %get3A_101 = tpu.vector_load %arg5[%get3A_99, %get3A_100] {strides = array<i32>} : memref<2x10112xi32, #tpu.memory_space<vmem>>, vector<16xi32>,
      tpu.vector_store_idx %arg7[%get3A_101], %gather3A_47 {add = true} : memref<10112xf32, #tpu.memory_space<vmem>>[vector<16xi32>], vector<16xf32>,
      %add3A_102 = arith.constant 32 : i32
      %add3A_103 = arith.addi %mul3A_35, %add3A_102 : i32
      %get3A_104 = arith.constant 1 : i32
      %get3A_105 = arith.index_cast %get3A_104 : i32 to index
      %get3A_106 = arith.index_cast %add3A_103 : i32 to index
      %get3A_107 = tpu.vector_load %arg5[%get3A_105, %get3A_106] {strides = array<i32>} : memref<2x10112xi32, #tpu.memory_space<vmem>>, vector<16xi32>,
      tpu.vector_store_idx %arg7[%get3A_107], %gather3A_54 {add = true} : memref<10112xf32, #tpu.memory_space<vmem>>[vector<16xi32>], vector<16xf32>,
      %add3A_108 = arith.constant 48 : i32
      %add3A_109 = arith.addi %mul3A_35, %add3A_108 : i32
      %get3A_110 = arith.constant 1 : i32
      %get3A_111 = arith.index_cast %get3A_110 : i32 to index
      %get3A_112 = arith.index_cast %add3A_109 : i32 to index
      %get3A_113 = tpu.vector_load %arg5[%get3A_111, %get3A_112] {strides = array<i32>} : memref<2x10112xi32, #tpu.memory_space<vmem>>, vector<16xi32>,
      tpu.vector_store_idx %arg7[%get3A_113], %gather3A_61 {add = true} : memref<10112xf32, #tpu.memory_space<vmem>>[vector<16xi32>], vector<16xf32>,
      %add3A_114 = arith.constant 64 : i32
      %add3A_115 = arith.addi %mul3A_35, %add3A_114 : i32
      %get3A_116 = arith.constant 1 : i32
      %get3A_117 = arith.index_cast %get3A_116 : i32 to index
      %get3A_118 = arith.index_cast %add3A_115 : i32 to index
      %get3A_119 = tpu.vector_load %arg5[%get3A_117, %get3A_118] {strides = array<i32>} : memref<2x10112xi32, #tpu.memory_space<vmem>>, vector<16xi32>,
      tpu.vector_store_idx %arg7[%get3A_119], %gather3A_68 {add = true} : memref<10112xf32, #tpu.memory_space<vmem>>[vector<16xi32>], vector<16xf32>,
      %add3A_120 = arith.constant 80 : i32
      %add3A_121 = arith.addi %mul3A_35, %add3A_120 : i32
      %get3A_122 = arith.constant 1 : i32
      %get3A_123 = arith.index_cast %get3A_122 : i32 to index
      %get3A_124 = arith.index_cast %add3A_121 : i32 to index
      %get3A_125 = tpu.vector_load %arg5[%get3A_123, %get3A_124] {strides = array<i32>} : memref<2x10112xi32, #tpu.memory_space<vmem>>, vector<16xi32>,
      tpu.vector_store_idx %arg7[%get3A_125], %gather3A_75 {add = true} : memref<10112xf32, #tpu.memory_space<vmem>>[vector<16xi32>], vector<16xf32>,
      %add3A_126 = arith.constant 96 : i32
      %add3A_127 = arith.addi %mul3A_35, %add3A_126 : i32
      %get3A_128 = arith.constant 1 : i32
      %get3A_129 = arith.index_cast %get3A_128 : i32 to index
      %get3A_130 = arith.index_cast %add3A_127 : i32 to index
      %get3A_131 = tpu.vector_load %arg5[%get3A_129, %get3A_130] {strides = array<i32>} : memref<2x10112xi32, #tpu.memory_space<vmem>>, vector<16xi32>,
      tpu.vector_store_idx %arg7[%get3A_131], %gather3A_82 {add = true} : memref<10112xf32, #tpu.memory_space<vmem>>[vector<16xi32>], vector<16xf32>,
      %add3A_132 = arith.constant 112 : i32
      %add3A_133 = arith.addi %mul3A_35, %add3A_132 : i32
      %get3A_134 = arith.constant 1 : i32
      %get3A_135 = arith.index_cast %get3A_134 : i32 to index
      %get3A_136 = arith.index_cast %add3A_133 : i32 to index
      %get3A_137 = tpu.vector_load %arg5[%get3A_135, %get3A_136] {strides = array<i32>} : memref<2x10112xi32, #tpu.memory_space<vmem>>, vector<16xi32>,
      tpu.vector_store_idx %arg7[%get3A_137], %gather3A_89 {add = true} : memref<10112xf32, #tpu.memory_space<vmem>>[vector<16xi32>], vector<16xf32>,
    }
    %while3A_32 = arith.constant 1 : i32
    scf.for %while3A_33 = %while3A_30 to %while3A_26 step %while3A_32  : i32 {
      %mul3A_34 = arith.constant 128 : i32
      %mul3A_35 = arith.muli %while3A_33, %mul3A_34 : i32
      %add3A_36 = arith.constant 0 : i32
      %add3A_37 = arith.addi %mul3A_35, %add3A_36 : i32
      %get3A = arith.constant 0 : i32
      %get3A_38 = arith.index_cast %get3A : i32 to index
      %get3A_39 = arith.index_cast %add3A_37 : i32 to index
      %get3A_40 = tpu.vector_load %arg5[%get3A_38, %get3A_39] {strides = array<i32>} : memref<2x10112xi32, #tpu.memory_space<vmem>>, vector<16xi32>,
      %gather3A = tpu.vector_load_idx %arg6[%get3A_40] : memref<10000xf32, #tpu.memory_space<vmem>>[vector<16xi32>], vector<16xf32>,
      %add3A_41 = arith.constant 16 : i32
      %add3A_42 = arith.addi %mul3A_35, %add3A_41 : i32
      %get3A_43 = arith.constant 0 : i32
      %get3A_44 = arith.index_cast %get3A_43 : i32 to index
      %get3A_45 = arith.index_cast %add3A_42 : i32 to index
      %get3A_46 = tpu.vector_load %arg5[%get3A_44, %get3A_45] {strides = array<i32>} : memref<2x10112xi32, #tpu.memory_space<vmem>>, vector<16xi32>,
      %gather3A_47 = tpu.vector_load_idx %arg6[%get3A_46] : memref<10000xf32, #tpu.memory_space<vmem>>[vector<16xi32>], vector<16xf32>,
      %add3A_48 = arith.constant 32 : i32
      %add3A_49 = arith.addi %mul3A_35, %add3A_48 : i32
      %get3A_50 = arith.constant 0 : i32
      %get3A_51 = arith.index_cast %get3A_50 : i32 to index
      %get3A_52 = arith.index_cast %add3A_49 : i32 to index
      %get3A_53 = tpu.vector_load %arg5[%get3A_51, %get3A_52] {strides = array<i32>} : memref<2x10112xi32, #tpu.memory_space<vmem>>, vector<16xi32>,
      %gather3A_54 = tpu.vector_load_idx %arg6[%get3A_53] : memref<10000xf32, #tpu.memory_space<vmem>>[vector<16xi32>], vector<16xf32>,
      %add3A_55 = arith.constant 48 : i32
      %add3A_56 = arith.addi %mul3A_35, %add3A_55 : i32
      %get3A_57 = arith.constant 0 : i32
      %get3A_58 = arith.index_cast %get3A_57 : i32 to index
      %get3A_59 = arith.index_cast %add3A_56 : i32 to index
      %get3A_60 = tpu.vector_load %arg5[%get3A_58, %get3A_59] {strides = array<i32>} : memref<2x10112xi32, #tpu.memory_space<vmem>>, vector<16xi32>,
      %gather3A_61 = tpu.vector_load_idx %arg6[%get3A_60] : memref<10000xf32, #tpu.memory_space<vmem>>[vector<16xi32>], vector<16xf32>,
      %add3A_62 = arith.constant 64 : i32
      %add3A_63 = arith.addi %mul3A_35, %add3A_62 : i32
      %get3A_64 = arith.constant 0 : i32
      %get3A_65 = arith.index_cast %get3A_64 : i32 to index
      %get3A_66 = arith.index_cast %add3A_63 : i32 to index
      %get3A_67 = tpu.vector_load %arg5[%get3A_65, %get3A_66] {strides = array<i32>} : memref<2x10112xi32, #tpu.memory_space<vmem>>, vector<16xi32>,
      %gather3A_68 = tpu.vector_load_idx %arg6[%get3A_67] : memref<10000xf32, #tpu.memory_space<vmem>>[vector<16xi32>], vector<16xf32>,
      %add3A_69 = arith.constant 80 : i32
      %add3A_70 = arith.addi %mul3A_35, %add3A_69 : i32
      %get3A_71 = arith.constant 0 : i32
      %get3A_72 = arith.index_cast %get3A_71 : i32 to index
      %get3A_73 = arith.index_cast %add3A_70 : i32 to index
      %get3A_74 = tpu.vector_load %arg5[%get3A_72, %get3A_73] {strides = array<i32>} : memref<2x10112xi32, #tpu.memory_space<vmem>>, vector<16xi32>,
      %gather3A_75 = tpu.vector_load_idx %arg6[%get3A_74] : memref<10000xf32, #tpu.memory_space<vmem>>[vector<16xi32>], vector<16xf32>,
      %add3A_76 = arith.constant 96 : i32
      %add3A_77 = arith.addi %mul3A_35, %add3A_76 : i32
      %get3A_78 = arith.constant 0 : i32
      %get3A_79 = arith.index_cast %get3A_78 : i32 to index
      %get3A_80 = arith.index_cast %add3A_77 : i32 to index
      %get3A_81 = tpu.vector_load %arg5[%get3A_79, %get3A_80] {strides = array<i32>} : memref<2x10112xi32, #tpu.memory_space<vmem>>, vector<16xi32>,
      %gather3A_82 = tpu.vector_load_idx %arg6[%get3A_81] : memref<10000xf32, #tpu.memory_space<vmem>>[vector<16xi32>], vector<16xf32>,
      %add3A_83 = arith.constant 112 : i32
      %add3A_84 = arith.addi %mul3A_35, %add3A_83 : i32
      %get3A_85 = arith.constant 0 : i32
      %get3A_86 = arith.index_cast %get3A_85 : i32 to index
      %get3A_87 = arith.index_cast %add3A_84 : i32 to index
      %get3A_88 = tpu.vector_load %arg5[%get3A_86, %get3A_87] {strides = array<i32>} : memref<2x10112xi32, #tpu.memory_space<vmem>>, vector<16xi32>,
      %gather3A_89 = tpu.vector_load_idx %arg6[%get3A_88] : memref<10000xf32, #tpu.memory_space<vmem>>[vector<16xi32>], vector<16xf32>,
      %add3A_90 = arith.constant 0 : i32
      %add3A_91 = arith.addi %mul3A_35, %add3A_90 : i32
      %get3A_92 = arith.constant 1 : i32
      %get3A_93 = arith.index_cast %get3A_92 : i32 to index
      %get3A_94 = arith.index_cast %add3A_91 : i32 to index
      %get3A_95 = tpu.vector_load %arg5[%get3A_93, %get3A_94] {strides = array<i32>} : memref<2x10112xi32, #tpu.memory_space<vmem>>, vector<16xi32>,
      tpu.vector_store_idx %arg7[%get3A_95], %gather3A {add = true} : memref<10112xf32, #tpu.memory_space<vmem>>[vector<16xi32>], vector<16xf32>,
      %add3A_96 = arith.constant 16 : i32
      %add3A_97 = arith.addi %mul3A_35, %add3A_96 : i32
      %get3A_98 = arith.constant 1 : i32
      %get3A_99 = arith.index_cast %get3A_98 : i32 to index
      %get3A_100 = arith.index_cast %add3A_97 : i32 to index
      %get3A_101 = tpu.vector_load %arg5[%get3A_99, %get3A_100] {strides = array<i32>} : memref<2x10112xi32, #tpu.memory_space<vmem>>, vector<16xi32>,
      tpu.vector_store_idx %arg7[%get3A_101], %gather3A_47 {add = true} : memref<10112xf32, #tpu.memory_space<vmem>>[vector<16xi32>], vector<16xf32>,
      %add3A_102 = arith.constant 32 : i32
      %add3A_103 = arith.addi %mul3A_35, %add3A_102 : i32
      %get3A_104 = arith.constant 1 : i32
      %get3A_105 = arith.index_cast %get3A_104 : i32 to index
      %get3A_106 = arith.index_cast %add3A_103 : i32 to index
      %get3A_107 = tpu.vector_load %arg5[%get3A_105, %get3A_106] {strides = array<i32>} : memref<2x10112xi32, #tpu.memory_space<vmem>>, vector<16xi32>,
      tpu.vector_store_idx %arg7[%get3A_107], %gather3A_54 {add = true} : memref<10112xf32, #tpu.memory_space<vmem>>[vector<16xi32>], vector<16xf32>,
      %add3A_108 = arith.constant 48 : i32
      %add3A_109 = arith.addi %mul3A_35, %add3A_108 : i32
      %get3A_110 = arith.constant 1 : i32
      %get3A_111 = arith.index_cast %get3A_110 : i32 to index
      %get3A_112 = arith.index_cast %add3A_109 : i32 to index
      %get3A_113 = tpu.vector_load %arg5[%get3A_111, %get3A_112] {strides = array<i32>} : memref<2x10112xi32, #tpu.memory_space<vmem>>, vector<16xi32>,
      tpu.vector_store_idx %arg7[%get3A_113], %gather3A_61 {add = true} : memref<10112xf32, #tpu.memory_space<vmem>>[vector<16xi32>], vector<16xf32>,
      %add3A_114 = arith.constant 64 : i32
      %add3A_115 = arith.addi %mul3A_35, %add3A_114 : i32
      %get3A_116 = arith.constant 1 : i32
      %get3A_117 = arith.index_cast %get3A_116 : i32 to index
      %get3A_118 = arith.index_cast %add3A_115 : i32 to index
      %get3A_119 = tpu.vector_load %arg5[%get3A_117, %get3A_118] {strides = array<i32>} : memref<2x10112xi32, #tpu.memory_space<vmem>>, vector<16xi32>,
      tpu.vector_store_idx %arg7[%get3A_119], %gather3A_68 {add = true} : memref<10112xf32, #tpu.memory_space<vmem>>[vector<16xi32>], vector<16xf32>,
      %add3A_120 = arith.constant 80 : i32
      %add3A_121 = arith.addi %mul3A_35, %add3A_120 : i32
      %get3A_122 = arith.constant 1 : i32
      %get3A_123 = arith.index_cast %get3A_122 : i32 to index
      %get3A_124 = arith.index_cast %add3A_121 : i32 to index
      %get3A_125 = tpu.vector_load %arg5[%get3A_123, %get3A_124] {strides = array<i32>} : memref<2x10112xi32, #tpu.memory_space<vmem>>, vector<16xi32>,
      tpu.vector_store_idx %arg7[%get3A_125], %gather3A_75 {add = true} : memref<10112xf32, #tpu.memory_space<vmem>>[vector<16xi32>], vector<16xf32>,
      %add3A_126 = arith.constant 96 : i32
      %add3A_127 = arith.addi %mul3A_35, %add3A_126 : i32
      %get3A_128 = arith.constant 1 : i32
      %get3A_129 = arith.index_cast %get3A_128 : i32 to index
      %get3A_130 = arith.index_cast %add3A_127 : i32 to index
      %get3A_131 = tpu.vector_load %arg5[%get3A_129, %get3A_130] {strides = array<i32>} : memref<2x10112xi32, #tpu.memory_space<vmem>>, vector<16xi32>,
      tpu.vector_store_idx %arg7[%get3A_131], %gather3A_82 {add = true} : memref<10112xf32, #tpu.memory_space<vmem>>[vector<16xi32>], vector<16xf32>,
      %add3A_132 = arith.constant 112 : i32
      %add3A_133 = arith.addi %mul3A_35, %add3A_132 : i32
      %get3A_134 = arith.constant 1 : i32
      %get3A_135 = arith.index_cast %get3A_134 : i32 to index
      %get3A_136 = arith.index_cast %add3A_133 : i32 to index
      %get3A_137 = tpu.vector_load %arg5[%get3A_135, %get3A_136] {strides = array<i32>} : memref<2x10112xi32, #tpu.memory_space<vmem>>, vector<16xi32>,
      tpu.vector_store_idx %arg7[%get3A_137], %gather3A_89 {add = true} : memref<10112xf32, #tpu.memory_space<vmem>>[vector<16xi32>], vector<16xf32>,
    }
    "tpu.region"() ({
      %run_scoped3A = tpu.sem_alloc : memref<!tpu.dma_semaphore, #tpu.memory_space<semaphore_mem>>
      %dma_start3A_33 = arith.constant 0 : i32
      %dma_start3A_34 = tpu.memref_slice %arg4[%add3A, %dma_start3A_33] : memref<32x10112xf32, #tpu.memory_space<hbm>> -> memref<1x10112xf32, #tpu.memory_space<hbm>>
      %dma_start3A_35 = tpu.memref_squeeze %dma_start3A_34 : memref<1x10112xf32, #tpu.memory_space<hbm>> -> memref<10112xf32, #tpu.memory_space<hbm>>
      %dma_start3A_36 = arith.constant 0 : i32
      %dma_start3A_37 = tpu.memref_slice %arg4[%add3A, %dma_start3A_36] : memref<32x10112xf32, #tpu.memory_space<hbm>> -> memref<1x10112xf32, #tpu.memory_space<hbm>>
      %dma_start3A_38 = tpu.memref_squeeze %dma_start3A_37 : memref<1x10112xf32, #tpu.memory_space<hbm>> -> memref<10112xf32, #tpu.memory_space<hbm>>
      tpu.enqueue_dma source(%arg7 : memref<10112xf32, #tpu.memory_space<vmem>>) target(%dma_start3A_38 : memref<10112xf32, #tpu.memory_space<hbm>>) target_semaphore(%run_scoped3A : memref<!tpu.dma_semaphore, #tpu.memory_space<semaphore_mem>>)
      %dma_wait3A_39 = arith.constant 0 : i32
      %dma_wait3A_40 = tpu.memref_slice %arg4[%add3A, %dma_wait3A_39] : memref<32x10112xf32, #tpu.memory_space<hbm>> -> memref<1x10112xf32, #tpu.memory_space<hbm>>
      %dma_wait3A_41 = tpu.memref_squeeze %dma_wait3A_40 : memref<1x10112xf32, #tpu.memory_space<hbm>> -> memref<10112xf32, #tpu.memory_space<hbm>>
      %dma_wait3A_42 = arith.constant 0 : i32
      %dma_wait3A_43 = tpu.memref_slice %arg4[%add3A, %dma_wait3A_42] : memref<32x10112xf32, #tpu.memory_space<hbm>> -> memref<1x10112xf32, #tpu.memory_space<hbm>>
      %dma_wait3A_44 = tpu.memref_squeeze %dma_wait3A_43 : memref<1x10112xf32, #tpu.memory_space<hbm>> -> memref<10112xf32, #tpu.memory_space<hbm>>
      tpu.wait_dma2 semaphore(%run_scoped3A : memref<!tpu.dma_semaphore, #tpu.memory_space<semaphore_mem>>) src(%arg7 : memref<10112xf32, #tpu.memory_space<vmem>>) dst(%dma_wait3A_44 : memref<10112xf32, #tpu.memory_space<hbm>>)
      tpu.yield
    }) : () -> ()
    return
  }
}

module attributes {stable_mosaic.version = 14 : i64} {
  func.func @_tc_xw_body(%arg0: memref<10000x128xf32, #tpu.memory_space<vmem>>, %arg1: memref<128x1xf32, #tpu.memory_space<vmem>>, %arg2: memref<10000xf32, #tpu.memory_space<vmem>>) attributes {dimension_semantics = [], scalar_prefetch = 0 : i64, scratch_operands = 0 : i64, tpu.core_type = #tpu.core_type<tc>} {
    %get3A = arith.constant 0 : index
    %get3A_0 = arith.constant 0 : index
    %get3A_1 = vector.load %arg0[%get3A, %get3A_0] : memref<10000x128xf32, #tpu.memory_space<vmem>>, vector<10000x128xf32>
    %get3A_2 = arith.constant 0 : index
    %get3A_3 = arith.constant 0 : index
    %get3A_4 = vector.load %arg1[%get3A_2, %get3A_3] : memref<128x1xf32, #tpu.memory_space<vmem>>, vector<128x1xf32>
    %dot_general3A = arith.constant dense<0.000000e+00> : vector<10000x1xf32>
    %dot_general3A_5 = tpu.matmul %get3A_1, %get3A_4, %dot_general3A {dimension_numbers = #tpu.dot_dimension_numbers<[1], [0], [0], [1], [0, 0, 1, 1], [], []>, transpose_lhs_hint = false} : vector<10000x128xf32>, vector<128x1xf32>, vector<10000x1xf32> -> vector<10000x1xf32>
    %reshape3A = vector.shape_cast %dot_general3A_5 : vector<10000x1xf32> to vector<10000xf32>
    %swap3A = arith.constant 0 : index
    %swap3A_6 = vector.load %arg2[%swap3A] : memref<10000xf32, #tpu.memory_space<vmem>>, vector<10000xf32>
    tpu.vector_store %arg2[%swap3A], %reshape3A {strides = array<i32>} : memref<10000xf32, #tpu.memory_space<vmem>>, vector<10000xf32>,
    return
  }
}

module attributes {stable_mosaic.version = 14 : i64} {
  func.func @_tc_prep2_body(%arg0: memref<32x10112xf32, #tpu.memory_space<vmem>>, %arg1: memref<10000xf32, #tpu.memory_space<vmem>>, %arg2: memref<10000xf32, #tpu.memory_space<vmem>>, %arg3: memref<10000xf32, #tpu.memory_space<vmem>>) attributes {dimension_semantics = [], scalar_prefetch = 0 : i64, scratch_operands = 0 : i64, tpu.core_type = #tpu.core_type<tc>} {
    %get3A = arith.constant 0 : index
    %get3A_0 = arith.constant 0 : index
    %get3A_1 = vector.load %arg0[%get3A, %get3A_0] : memref<32x10112xf32, #tpu.memory_space<vmem>>, vector<32x10112xf32>
    %reduce_sum3A = arith.constant dense<0.000000e+00> : vector<10112xf32>
    %reduce_sum3A_2 = vector.multi_reduction <add>, %get3A_1, %reduce_sum3A [0] : vector<32x10112xf32> to vector<10112xf32>
    %slice3A = vector.extract_strided_slice %reduce_sum3A_2 {offsets = [0], sizes = [10000], strides = [1]} : vector<10112xf32> to vector<10000xf32>
    %add3A = arith.constant 1.000000e+00 : f32
    %add3A_3 = vector.broadcast %add3A : f32 to vector<10000xf32>
    %add3A_4 = arith.addf %slice3A, %add3A_3 : vector<10000xf32>
    %rsqrt3A = math.rsqrt %add3A_4 : vector<10000xf32>
    %swap3A = arith.constant 0 : index
    %swap3A_5 = vector.load %arg3[%swap3A] : memref<10000xf32, #tpu.memory_space<vmem>>, vector<10000xf32>
    tpu.vector_store %arg3[%swap3A], %rsqrt3A {strides = array<i32>} : memref<10000xf32, #tpu.memory_space<vmem>>, vector<10000xf32>,
    %get3A_6 = arith.constant 0 : index
    %get3A_7 = vector.load %arg1[%get3A_6] : memref<10000xf32, #tpu.memory_space<vmem>>, vector<10000xf32>
    %mul3A = arith.mulf %get3A_7, %rsqrt3A : vector<10000xf32>
    %swap3A_8 = arith.constant 0 : index
    %swap3A_9 = vector.load %arg2[%swap3A_8] : memref<10000xf32, #tpu.memory_space<vmem>>, vector<10000xf32>
    tpu.vector_store %arg2[%swap3A_8], %mul3A {strides = array<i32>} : memref<10000xf32, #tpu.memory_space<vmem>>, vector<10000xf32>,
    return
  }
}

module attributes {stable_mosaic.version = 14 : i64} {
  func.func @_tc_fin_body(%arg0: memref<32x10112xf32, #tpu.memory_space<vmem>>, %arg1: memref<10000xf32, #tpu.memory_space<vmem>>, %arg2: memref<10000xf32, #tpu.memory_space<vmem>>, %arg3: memref<10000xf32, #tpu.memory_space<vmem>>) attributes {dimension_semantics = [], scalar_prefetch = 0 : i64, scratch_operands = 0 : i64, tpu.core_type = #tpu.core_type<tc>} {
    %get3A = arith.constant 0 : index
    %get3A_0 = vector.load %arg2[%get3A] : memref<10000xf32, #tpu.memory_space<vmem>>, vector<10000xf32>
    %get3A_1 = arith.constant 0 : index
    %get3A_2 = arith.constant 0 : index
    %get3A_3 = vector.load %arg0[%get3A_1, %get3A_2] : memref<32x10112xf32, #tpu.memory_space<vmem>>, vector<32x10112xf32>
    %reduce_sum3A = arith.constant dense<0.000000e+00> : vector<10112xf32>
    %reduce_sum3A_4 = vector.multi_reduction <add>, %get3A_3, %reduce_sum3A [0] : vector<32x10112xf32> to vector<10112xf32>
    %slice3A = vector.extract_strided_slice %reduce_sum3A_4 {offsets = [0], sizes = [10000], strides = [1]} : vector<10112xf32> to vector<10000xf32>
    %get3A_5 = arith.constant 0 : index
    %get3A_6 = vector.load %arg1[%get3A_5] : memref<10000xf32, #tpu.memory_space<vmem>>, vector<10000xf32>
    %add3A = arith.addf %slice3A, %get3A_6 : vector<10000xf32>
    %mul3A = arith.mulf %get3A_0, %add3A : vector<10000xf32>
    %swap3A = arith.constant 0 : index
    %swap3A_7 = vector.load %arg3[%swap3A] : memref<10000xf32, #tpu.memory_space<vmem>>, vector<10000xf32>
    tpu.vector_store %arg3[%swap3A], %mul3A {strides = array<i32>} : memref<10000xf32, #tpu.memory_space<vmem>>, vector<10000xf32>,
    return
  }
}

</mosaic_0001>

<sc_bundles>
// kernel: kernel.10.cloned.1.call-start
scs
__scs_entry_jumppad:
0x0: {  	(pc) =	sbr.rel $0x88, $3  }
0x1: {  	(tag) =	ssettag $0x0;
	lr =	simm.s32 $0x1  }
0x2: {  	[smem:$0x3F9E] =	sst lr;
	_ =	strace $0xD0000000  }
0x3: {  	_ = 	snop  }
0x4: {  	_ = 	snop  }
0x5: {  	_ = 	snop  }
0x6: {  	_ = 	snop  }
0x7: {  	_ = 	snop  }
__scs_overlays_trampoline_lowered:
0x8: {  	[smem:$0x3FAD] =	sst s0  }
0x9: {  	[smem:$0x3FAE] =	sst s1  }
0xa: {  	[smem:$0x3FAF] =	sst s2  }
0xb: {  	[smem:$0x3FB0] =	sst s3  }
0xc: {  	[smem:$0x3FB1] =	sst s4  }
0xd: {  	[smem:$0x3FB2] =	sst s5  }
0xe: {  	[smem:$0x3FB3] =	sst s6  }
0xf: {  	[smem:$0x3FB4] =	sst s7  }
0x10: {  	[smem:$0x3FB5] =	sst s8  }
0x11: {  	[smem:$0x3FB6] =	sst s9;
	s0 =	simm.s32 @!p0 $0x0  }
0x12: {  	s1 =	sld [smem:$0x3F9C];
	s0 =	simm.s32 @p0 $0x1  }
0x13: {  	[smem:$0x3FB7] =	sst s0;
	s0 =	simm.s32 @!p1 $0x0  }
0x14: {  	s2 =	sld [smem:$0x3F9B];
	s0 =	simm.s32 @p1 $0x1  }
0x15: {  	[smem:$0x3FB8] =	sst s0;
	s0 =	simm.s32 @!p2 $0x0  }
0x16: {  	s3 =	sld [smem:$0x3FDB];
	s0 =	simm.s32 @p2 $0x1  }
0x17: {  	s4 =	simm.s32 $0x1BF5;
	[smem:$0x3FBA] =	sst s0  }
0x18: {  	s0 =	sld [smem:$0x3F9D];
	_ =	swait.ge [sflag:s4], $0x0  }
0x19: {  	s7 =	sld [smem:$0x3F9E]  }
0x1a: {  	s8 =	sadd.s32 $0xFFFFE003, lr  }
0x1b: {  	s9 =	sadd.s32 $0xFFFFFEF7, lr;
	s5 =	simm.s32 $0xFFFFFFFF;
	p2 =	slt.u32 s8, $0xFFFFF086  }
0x1c: {  	p1 =	slt.u32 s9, $0xF7A;
	s5 =	simm.s32 @!p2 $0x0  }
0x1d: {  	s5 =	simm.s32 @p1 $0x1;
	p0 =	seq.s32 s7, s2  }
0x1e: {  	s7 =	smul.u32 @!p0 $0xF7A, s2;
	p2 =	seq.s32 @!p0 s5, $0x0  }
0x1f: {  	s9 =	smul.u32 $0xF7A, s1;
	s8 =	simm.s32 @!p0 $0x1BF5;
	p2 =	por !p2, p0  }
0x20: {  	[sflag:s8] =	ssyncset.s32 @!p0 $0xFFFFF086;
	s6 =	sadd.s32 @!p0 s3, s7;
	s7 =	simm.s32 @!p0 $0x108  }
0x21: {  	s3 =	sadd.s32 s3, s9;
	s6 =	sadd.s32 @!p0 $0x88, s6;
	s7 =	simm.s32 @p2 $0x1082  }
0x22: {  	[simem:s7], [sflag:s8] =	dma.local @!p0 [hbm:s6], $0xF7A  }
0x23: {  	s9 =	sor.u32 $0xD0000000, s2;
	s6 =	simm.s32 $0x108;
	_ =	swait.ge @!p0 [sflag:s8], $0x0  }
0x24: {  	s3 =	sadd.s32 $0x88, s3;
	s6 =	simm.s32 @!p1 $0x1082;
	[sflag:s4] =	ssyncset.s32 $0xFFFFF086  }
0x25: {  	[simem:s6], [sflag:s4] =	dma.local [hbm:s3], $0xF7A  }
0x26: {  	[smem:$0x3F9E] =	sst s1;
	(tag) =	ssettag s2;
	_ =	strace s9  }
0x27: {  	s1 =	sld [smem:$0x3FAE]  }
0x28: {  	s2 =	sld [smem:$0x3FAF]  }
0x29: {  	s4 =	sld [smem:$0x3FB1]  }
0x2a: {  	p0 =	seq.s32 s5, $0x0;
	s5 =	sld [smem:$0x3FB2]  }
0x2b: {  	s6 =	sld [smem:$0x3FB3]  }
0x2c: {  	s7 =	sld [smem:$0x3FB4]  }
0x2d: {  	s3 =	simm.s32 $0x108;
	s8 =	sld [smem:$0x3FB5]  }
0x2e: {  	s3 =	simm.s32 @!p0 $0x1082;
	s9 =	sld [smem:$0x3FB6]  }
0x2f: {  	lr =	sadd.s32 s0, s3;
	s0 =	sld [smem:$0x3FAD]  }
0x30: {  	s3 =	sld [smem:$0x3FB0]  }
0x31: {  	[smem:$0x3FB9] =	sst s10  }
0x32: {  	s10 =	sld [smem:$0x3FB7];
	_ =	sdelay $0x3  }
0x33: {  	p0 =	seq.s32 s10, $0x1;
	s10 =	sld [smem:$0x3FB9];
	_ =	sdelay $0x3  }
0x34: {  	[smem:$0x3FB9] =	sst s10  }
0x35: {  	s10 =	sld [smem:$0x3FB8];
	_ =	sdelay $0x3  }
0x36: {  	p1 =	seq.s32 s10, $0x1;
	s10 =	sld [smem:$0x3FB9];
	_ =	sdelay $0x3  }
0x37: {  	[smem:$0x3FB9] =	sst s10  }
0x38: {  	s10 =	sld [smem:$0x3FBA]  }
0x39: {  	_ = 	snop;
	(pc) =	sbr.ind lr, $3  }
0x3a: {  	_ = 	snop  }
0x3b: {  	_ = 	snop  }
0x3c: {  	p2 =	seq.s32 s10, $0x1;
	s10 =	sld [smem:$0x3FB9]  }
0x3d: {  	_ =	shalt  }
0x3e: {  	_ =	shalt  }
0x3f: {  	_ =	shalt  }
0x40: {  	_ =	shalt  }
0x41: {  	_ =	shalt  }
0x42: {  	_ =	shalt  }
0x43: {  	_ =	shalt  }
0x44: {  	_ =	shalt  }
0x45: {  	_ =	shalt  }
0x46: {  	_ =	shalt  }
0x47: {  	_ =	shalt  }
0x48: {  	_ =	shalt  }
0x49: {  	_ =	shalt  }
0x4a: {  	_ =	shalt  }
0x4b: {  	_ =	shalt  }
0x4c: {  	_ =	shalt  }
0x4d: {  	_ =	shalt  }
0x4e: {  	_ =	shalt  }
0x4f: {  	_ =	shalt  }
0x50: {  	_ =	shalt  }
0x51: {  	_ =	shalt  }
0x52: {  	_ =	shalt  }
0x53: {  	_ =	shalt  }
0x54: {  	_ =	shalt  }
0x55: {  	_ =	shalt  }
0x56: {  	_ =	shalt  }
0x57: {  	_ =	shalt  }
0x58: {  	_ =	shalt  }
0x59: {  	_ =	shalt  }
0x5a: {  	_ =	shalt  }
0x5b: {  	_ =	shalt  }
0x5c: {  	_ =	shalt  }
0x5d: {  	_ =	shalt  }
0x5e: {  	_ =	shalt  }
0x5f: {  	_ =	shalt  }
0x60: {  	_ =	shalt  }
0x61: {  	_ =	shalt  }
0x62: {  	_ =	shalt  }
0x63: {  	_ =	shalt  }
0x64: {  	_ =	shalt  }
0x65: {  	_ =	shalt  }
0x66: {  	_ =	shalt  }
0x67: {  	_ =	shalt  }
0x68: {  	_ =	shalt  }
0x69: {  	_ =	shalt  }
0x6a: {  	_ =	shalt  }
0x6b: {  	_ =	shalt  }
0x6c: {  	_ =	shalt  }
0x6d: {  	_ =	shalt  }
0x6e: {  	_ =	shalt  }
0x6f: {  	_ =	shalt  }
0x70: {  	_ =	shalt  }
0x71: {  	_ =	shalt  }
0x72: {  	_ =	shalt  }
0x73: {  	_ =	shalt  }
0x74: {  	_ =	shalt  }
0x75: {  	_ =	shalt  }
0x76: {  	_ =	shalt  }
0x77: {  	_ =	shalt  }
0x78: {  	_ =	shalt  }
0x79: {  	_ =	shalt  }
0x7a: {  	_ =	shalt  }
0x7b: {  	_ =	shalt  }
0x7c: {  	_ =	shalt  }
0x7d: {  	_ =	shalt  }
0x7e: {  	_ =	shalt  }
0x7f: {  	_ =	shalt  }
0x80: {  	_ =	shalt  }
0x81: {  	_ =	shalt  }
0x82: {  	_ =	shalt  }
0x83: {  	_ =	shalt  }
0x84: {  	_ =	shalt  }
0x85: {  	_ =	shalt  }
0x86: {  	_ =	shalt  }
0x87: {  	_ =	shalt  }
.Lfunc_end0:
.L_simem_size_0:
called_computation.1_lowered:
.L_overlay_start_0:
0x88: {  	s2 =	sld [smem:$0x3FD9]  }
0x89: {  	s3 =	sld [smem:$0x3FFE];
	_ =	sdelay $0x1  }
0x8a: {  	s1 =	srdreg.scid  }
0x8b: {  	s0 =	sand.u32 $0x1, s1  }
0x8c: {  	s17 =	sshll.u32 s0, $0xA;
	s2 =	sadd.s32 s3, s2  }
0x8d: {  	s2 =	sadd.s32 s2, s17  }
0x8e: {  	[smem:$0x3FC5] =	sst s2  }
0x8f: {  	_ = 	snop  }
0x90: {  	s2 =	sld [smem:$0x3FC8]  }
0x91: {  	s18 =	sld [smem:$0x3FD0];
	(tm) =	ssettm $0x1  }
0x92: {  	s4 =	sld [smem:$0x3FFB];
	_ =	sdelay $0x3  }
0x93: {  	_ =	strace s4  }
0x94: {  	s4 =	sld [smem:$0x3FFC];
	_ =	sdelay $0x3  }
0x95: {  	_ =	strace s4  }
0x96: {  	s4 =	sld [smem:$0x3FFD];
	_ =	sdelay $0x3  }
0x97: {  	_ =	strace s4  }
0x98: {  	_ =	strace $0x8FFFFFFF  }
0x99: {  	s19 =	sld [smem:$0x3FDB];
	_ =	sdelay $0x1  }
0x9a: {  	s5 =	simm.s32 $_scs_section_size  }
0x9b: {  	s6 =	simm.s32 $_size__tile_overlayer_lowered;
	s7 =	simm.s32 $_tile_overlayer_lowered  }
0x9c: {  	s22 =	simm.s32 $0x1BFF;
	s21 =	sshll.u32 s7, $0x1;
	s4 =	sadd.s32 s5, s19  }
0x9d: {  	s8 =	simm.s32 $0x0;
	s20 =	sshll.u32 s6, $0x1;
	s6 =	sadd.s32 s21, s4  }
0x9e: {  	[timem:s8], [sflag:s22] =	dma.local [hbm:s6], s20  }
0x9f: {  	_ =	swait.ge [sflag:s22], s20  }
0xa0: {  	s5 =	ssub.s32 $0x0, s20;
	[sflag:s22] =	ssyncset.done $0x0  }
0xa1: {  	[sflag:s22] =	ssyncadd.s32 s5;
	_ =	sdelay $0x1  }
0xa2: {  	s23 =	simm.s32 $0x1B8B  }
0xa3: {  	_ =	swait.ge [sflag:s23], $0x1  }
0xa4: {  	[sflag:s23] =	ssyncset.done $0x0  }
0xa5: {  	s25 =	simm.s32 $0x1B8E;
	s24 =	sld [smem:$0x3FFE];
	[sflag:s23] =	ssyncadd.s32 $0xFFFFFFFF  }
0xa6: {  	s26 =	simm.s32 $execute0_lowered;
	[smem:$0x3FD2] =	sst s25  }
0xa7: {  	s6 =	sshll.u32 s26, $0x1;
	_ =	strace $0x80000049;
	[dreg:$0x1] =	wrdreg $0xFFFFFFFF  }
0xa8: {  	s28 =	simm.s32 $_size_execute0_lowered;
	s4 =	sadd.s32 s4, s6;
	[dreg:$0x0] =	wrdreg $0x0  }
0xa9: {  	s6 =	sshll.u32 s28, $0x1;
	[dreg:$0x2] =	wrdreg s4  }
0xaa: {  	[dreg:$0x3] =	wrdreg s6  }
0xab: {  	[dreg:$0x4] =	wrdreg $0xC0  }
0xac: {  	_ =	task [dreg:s8], $0x5FFFF  }
0xad: {  	[dreg:$0x1] =	wrdreg $0xFFFFFFFF  }
0xae: {  	[dreg:$0x0] =	wrdreg $0x60  }
0xaf: {  	[dreg:$0x2] =	wrdreg s2  }
0xb0: {  	[dreg:$0x3] =	wrdreg s18  }
0xb1: {  	[dreg:$0x4] =	wrdreg s24  }
0xb2: {  	[dreg:$0x5] =	wrdreg $0x9  }
0xb3: {  	_ =	task.clear_ibuf [dreg:s8], $0x6FFFF;
	_ =	strace $0x90000049  }
0xb4: {  	s29 =	simm.s32 $0x9;
	_ =	strace $0x8000004B  }
0xb5: {  	_ =	swait.ge [sflag:s29], $0x1  }
0xb6: {  	[sflag:s29] =	ssyncadd.s32 $0xFFFFFFFF  }
0xb7: {  	_ =	strace $0x9000004B  }
0xb8: {  	_ =	sfence  }
0xb9: {  	s30 =	sld [smem:$0x0];
	_ =	sdelay $0x2  }
0xba: {  	s31 =	sshll.u32 s1, $0xD;
	s1 =	sshrl.u32 s1, $0x2  }
0xbb: {  	s3 =	sand.u32 $0x4000, s31;
	s1 =	sadd.s32 s1, s30  }
0xbc: {  	s0 =	sor.u32 s3, s0;
	s1 =	sshll.u32 s1, $0x11  }
0xbd: {  	s0 =	sor.u32 s1, s0  }
0xbe: {  	s0 =	sadd.s32 $0x8F2B, s0  }
0xbf: {  	[sflag:s0] =	ssyncadd.remote.s32 $0x1  }
0xc0: {  	_ =	sfence.sel $0xFFFF  }
0xc1: {  	[dreg:$0x0] =	wrdreg $0xFFFFFFFF;
	(pc) =	sbr.abs _section_cstart, $3  }
0xc2: {  	[dreg:$0x1] =	wrdreg $0xFFFFFFFF  }
0xc3: {  	_ =	task.clear_ibuf [dreg:s8], $0x2FFFF;
	_ =	strace $0x9FFFFFFF  }
0xc4: {  	(tm) =	ssettm $0x7FFFFFFF  }
0xc5: {  	_ =	shalt  }
tec
execute0_lowered:
.L_overlay_start_1:
0x0: {  	(tag) =	ssettag $0x1  }
0x1: {  	s5 =	rddreg [dreg:$0x0]  }
0x2: {  	s2 =	rddreg [dreg:$0x1]  }
0x3: {  	s1 =	srdreg.scid;
	s0 =	stileid.u32  }
0x4: {  	s4 =	rddreg [dreg:$0x2];
	s11 =	simm.s32 $0x80;
	s12 =	simm.s32 $0x400  }
0x5: {  	s13 =	simm.s32 $0x2;
	s14 =	simm.s32 $0x0;
	s6 =	sand.u32 $0x1, s1  }
0x6: {  	s3 =	sshll.u32 s0, $0x1;
	s1 =	rddreg [dreg:$0x3];
	s8 =	sshrl.u32 s0, $0x2  }
0x7: {  	p0 =	sgt.u32 s0, $0xD;
	s7 =	sor.u32 s6, s3;
	s3 =	simm.s32 $0x0  }
0x8: {  	s8 =	smul.u32 $0x13C00, s8;
	s6 =	ssub.s32 $0x2, s6;
	s9 =	sshll.u32 s7, $0x7  }
0x9: {  	[smem:$0x7FF] =	sst s3;
	s10 =	smul.u32 $0x4E, s7;
	s7 =	smax.u32 s7, $0x1C  }
0xa: {  	s30 =	sshrl.u32 s6, $0x1;
	s9 =	sand.u32 $0x380, s9;
	_ =	strace $0x8000004A  }
0xb: {  	s31 =	ssub.s32 s6, s30;
	s8 =	sor.u32 s8, s9;
	s7 =	sadd.s32 s10, s7  }
0xc: {  	s9 =	simm.s32 $0x1;
	s10 =	simm.s32 $0x7680;
	s8 =	sshrl.u32 s8, $0x3  }
0xd: {  	s7 =	sshll.u32 s7, $0x5;
	s8 =	sadd.s32 s8, s4;
	s4 =	simm.s32 $0x4F  }
0xe: {  	s5 =	sadd.s32 s5, s7;
	s7 =	smax.u32 s31, $0x1;
	s4 =	simm.s32 @!p0 $0x4E  }
0xf: {  	v0 =	vimm.f32 $0.0e+00;
	s5 =	sadd.s32 $0xFFFFFC80, s5;
	s6 =	sadd.s32 $0x1C00, s8;
	s8 =	simm.s32 $0x4F00  }
.LBB2_1:
0x10: {  	[tilespmem:s3], [sflag:$0x1] =	stream.linear.gather [hbm4b:s5+s3], $0x4F00, $0x38;
	[tilespmem:$0x9E00] =	vst v63  }
0x11: {  	s15 =	simm.s32 $0x0;
	s16 =	simm.s32 $0x200  }
0x12: {  	[tilespmem:s8], [sflag:$0x1] =	stream.linear.gather [hbm4b:s2+s3], $0x2780, $0x38;
	[tilespmem:$0x9E00] =	vst v63  }
.LBB2_2:
0x13: {  	p0 =	sne.s32 s16, $0x9C00;
	[tilespmem:s15+$0x76F0] =	vst v0  }
0x14: {  	[tilespmem:s15+$0x7680] =	vst v0  }
0x15: {  	[tilespmem:s15+$0x7690] =	vst v0  }
.Ltmp0:
0x16: {  	[tilespmem:s15+$0x76A0] =	vst v0;
	(pc) =	sbr.rel @p0 .LBB2_2-.Ltmp0, $4  }
0x17: {  	[tilespmem:s15+$0x76B0] =	vst v0  }
0x18: {  	[tilespmem:s15+$0x76C0] =	vst v0  }
0x19: {  	[tilespmem:s15+$0x76D0] =	vst v0  }
0x1a: {  	[tilespmem:s15+$0x76E0] =	vst v0;
	s15 =	sshra.s32 s16, $0x2;
	s16 =	sadd.s32 $0x200, s16  }
0x1b: {  	[tilespmem:s15+$0x76F0] =	vst v0  }
0x1c: {  	[tilespmem:s15+$0x7680] =	vst v0  }
0x1d: {  	[tilespmem:s15+$0x7690] =	vst v0  }
0x1e: {  	[tilespmem:s15+$0x76A0] =	vst v0  }
0x1f: {  	[tilespmem:s15+$0x76B0] =	vst v0  }
0x20: {  	[tilespmem:s15+$0x76C0] =	vst v0  }
0x21: {  	[tilespmem:s15+$0x76D0] =	vst v0  }
0x22: {  	[tilespmem:s15+$0x76E0] =	vst v0  }
0x23: {  	_ =	swait.ge [sflag:s9], $0x4F00  }
0x24: {  	[sflag:s9] =	ssyncset.done $0x0  }
0x25: {  	[sflag:s9] =	ssyncadd.s32 $0xFFFFB100  }
0x26: {  	_ =	swait.ge [sflag:s9], $0x2780  }
0x27: {  	[sflag:s9] =	ssyncset.done $0x0  }
0x28: {  	s15 =	simm.s32 $0x80;
	s16 =	smov.u32 s4;
	[sflag:s9] =	ssyncadd.s32 $0xFFFFD880  }
.LBB2_4:
0x29: {  	v1 =	vld [tilespmem:s15+$0xFFFFFF80]  }
0x2a: {  	v2 =	vld [tilespmem:s15+$0xFFFFFF90]  }
0x2b: {  	v3 =	vld [tilespmem:s15+$0xFFFFFFA0]  }
0x2c: {  	v4 =	vld [tilespmem:s15+$0xFFFFFFB0]  }
0x2d: {  	v5 =	vld [tilespmem:s15+$0xFFFFFFC0]  }
0x2e: {  	v6 =	vld [tilespmem:s15+$0xFFFFFFD0]  }
0x2f: {  	v7 =	vld [tilespmem:s15+$0xFFFFFFE0]  }
0x30: {  	v8 =	vld [tilespmem:s15+$0xFFFFFFF0]  }
0x31: {  	v9 =	vld [tilespmem:s15+$0x0]  }
0x32: {  	v1 =	vld.idx.msk [tilespmem:v1+s8+$0x0], $0xffff  }
0x33: {  	v2 =	vld.idx.msk [tilespmem:v2+s8+$0x0], $0xffff  }
0x34: {  	v3 =	vld.idx.msk [tilespmem:v3+s8+$0x0], $0xffff  }
0x35: {  	v4 =	vld.idx.msk [tilespmem:v4+s8+$0x0], $0xffff  }
0x36: {  	v5 =	vld.idx.msk [tilespmem:v5+s8+$0x0], $0xffff  }
0x37: {  	v6 =	vld.idx.msk [tilespmem:v6+s8+$0x0], $0xffff  }
0x38: {  	v7 =	vld.idx.msk [tilespmem:v7+s8+$0x0], $0xffff  }
0x39: {  	v8 =	vld.idx.msk [tilespmem:v8+s8+$0x0], $0xffff  }
0x3a: {  	[tilespmem:v9+s10+$0x0] =	vst.idx.add.f32.msk $0xffff, v1  }
0x3b: {  	v1 =	vld [tilespmem:s15+$0x10];
	_ =	sdelay $0x7  }
0x3c: {  	[tilespmem:v1+s10+$0x0] =	vst.idx.add.f32.msk $0xffff, v2  }
0x3d: {  	v1 =	vld [tilespmem:s15+$0x20];
	_ =	sdelay $0x7  }
0x3e: {  	[tilespmem:v1+s10+$0x0] =	vst.idx.add.f32.msk $0xffff, v3  }
0x3f: {  	v1 =	vld [tilespmem:s15+$0x30];
	_ =	sdelay $0x7  }
0x40: {  	[tilespmem:v1+s10+$0x0] =	vst.idx.add.f32.msk $0xffff, v4  }
0x41: {  	v1 =	vld [tilespmem:s15+$0x40];
	_ =	sdelay $0x7  }
0x42: {  	[tilespmem:v1+s10+$0x0] =	vst.idx.add.f32.msk $0xffff, v5  }
0x43: {  	v1 =	vld [tilespmem:s15+$0x50];
	_ =	sdelay $0x7  }
0x44: {  	[tilespmem:v1+s10+$0x0] =	vst.idx.add.f32.msk $0xffff, v6  }
0x45: {  	v1 =	vld [tilespmem:s15+$0x60];
	_ =	sdelay $0x7  }
0x46: {  	[tilespmem:v1+s10+$0x0] =	vst.idx.add.f32.msk $0xffff, v7  }
0x47: {  	v1 =	vld [tilespmem:s15+$0x70];
	_ =	sdelay $0x2  }
0x48: {  	p0 =	sne.s32 s16, $0x1  }
.Ltmp1:
0x49: {  	_ = 	snop;
	(pc) =	sbr.rel @p0 .LBB2_4-.Ltmp1, $2  }
0x4a: {  	_ =	sdelay $0x2  }
0x4b: {  	s16 =	sadd.s32 $0xFFFFFFFF, s16;
	s15 =	sadd.s32 $0x100, s15;
	[tilespmem:v1+s10+$0x0] =	vst.idx.add.f32.msk $0xffff, v8  }
0x4c: {  	s14 =	sadd.s32 $0x1, s14  }
0x4d: {  	p0 =	sne.s32 s14, s7  }
.Ltmp2:
0x4e: {  	_ = 	snop;
	(pc) =	sbr.rel @p0 .LBB2_1-.Ltmp2, $4  }
0x4f: {  	[hbm4b:s6+s11] =	stream.strided.scatter [tilespmem:s10], [sflag:$0x2], $0x2780, s12, s11, $0x38;
	[tilespmem:$0x9E00] =	vst v63  }
0x50: {  	_ =	swait.ge [sflag:s13], $0x2780  }
0x51: {  	[sflag:s13] =	ssyncset.done $0x0  }
0x52: {  	[sflag:s13] =	ssyncadd.s32 $0xFFFFD880  }
0x53: {  	_ =	sfence.sel $0x180000  }
0x54: {  	[bflag:$0x0] =	sbarrier.arrive $0xFFFF  }
0x55: {  	p0 =	sne.s32 s0, $0x0;
	_ =	strace $0x9000004A  }
0x56: {  	s0 =	sadd.s32 @!p0 $0x100000, s1;
	[bflag:$0x2] =	sbarrier.arrive $0xFFFF  }
0x57: {  	[sflag:s0] =	ssyncadd.tile.s32 @!p0 $0x1;
	_ =	shalt  }
.Lfunc_end2:
_tile_overlayer_lowered:
.L_overlay_start_2:
0x58: {  	(tag) =	ssettag $0x2  }
0x59: {  	s0 =	rddreg [dreg:$0x0];
	s2 =	stileid.u32  }
0x5a: {  	s1 =	rddreg [dreg:$0x1];
	p0 =	sne.s32 s2, $0x0  }
0x5b: {  	s3 =	rddreg [dreg:$0x2];
	[bflag:$0x3] =	sbarrier.arrive $0xFFFF;
	s2 =	simm.s32 @!p0 $0x1C02  }
0x5c: {  	[timem:s3], [sflag:s2] =	dma.local @!p0 [hbm:s0], s1  }
0x5d: {  	s0 =	simm.s32 @!p0 $0x2  }
0x5e: {  	_ =	swait.ge @!p0 [sflag:s0], s1  }
0x5f: {  	s1 =	ssub.s32 @!p0 $0x0, s1;
	[sflag:s0] =	ssyncset.done @!p0 $0x0  }
0x60: {  	[sflag:s0] =	ssyncadd.s32 @!p0 s1  }
0x61: {  	[bflag:$0x3] =	sbarrier.arrive $0xFFFF  }
0x62: {  	_ =	shalt  }

// kernel: kernel.7.cloned.1.call-start
scs
__scs_entry_jumppad:
0x0: {  	(pc) =	sbr.rel $0x88, $3  }
0x1: {  	(tag) =	ssettag $0x0;
	lr =	simm.s32 $0x1  }
0x2: {  	[smem:$0x3F9E] =	sst lr;
	_ =	strace $0xD0000000  }
0x3: {  	_ = 	snop  }
0x4: {  	_ = 	snop  }
0x5: {  	_ = 	snop  }
0x6: {  	_ = 	snop  }
0x7: {  	_ = 	snop  }
__scs_overlays_trampoline_lowered:
0x8: {  	[smem:$0x3FAD] =	sst s0  }
0x9: {  	[smem:$0x3FAE] =	sst s1  }
0xa: {  	[smem:$0x3FAF] =	sst s2  }
0xb: {  	[smem:$0x3FB0] =	sst s3  }
0xc: {  	[smem:$0x3FB1] =	sst s4  }
0xd: {  	[smem:$0x3FB2] =	sst s5  }
0xe: {  	[smem:$0x3FB3] =	sst s6  }
0xf: {  	[smem:$0x3FB4] =	sst s7  }
0x10: {  	[smem:$0x3FB5] =	sst s8  }
0x11: {  	[smem:$0x3FB6] =	sst s9;
	s0 =	simm.s32 @!p0 $0x0  }
0x12: {  	s1 =	sld [smem:$0x3F9C];
	s0 =	simm.s32 @p0 $0x1  }
0x13: {  	[smem:$0x3FB7] =	sst s0;
	s0 =	simm.s32 @!p1 $0x0  }
0x14: {  	s2 =	sld [smem:$0x3F9B];
	s0 =	simm.s32 @p1 $0x1  }
0x15: {  	[smem:$0x3FB8] =	sst s0;
	s0 =	simm.s32 @!p2 $0x0  }
0x16: {  	s3 =	sld [smem:$0x3FDB];
	s0 =	simm.s32 @p2 $0x1  }
0x17: {  	s4 =	simm.s32 $0x1BF5;
	[smem:$0x3FBA] =	sst s0  }
0x18: {  	s0 =	sld [smem:$0x3F9D];
	_ =	swait.ge [sflag:s4], $0x0  }
0x19: {  	s7 =	sld [smem:$0x3F9E]  }
0x1a: {  	s8 =	sadd.s32 $0xFFFFE003, lr  }
0x1b: {  	s9 =	sadd.s32 $0xFFFFFEF7, lr;
	s5 =	simm.s32 $0xFFFFFFFF;
	p2 =	slt.u32 s8, $0xFFFFF086  }
0x1c: {  	p1 =	slt.u32 s9, $0xF7A;
	s5 =	simm.s32 @!p2 $0x0  }
0x1d: {  	s5 =	simm.s32 @p1 $0x1;
	p0 =	seq.s32 s7, s2  }
0x1e: {  	s7 =	smul.u32 @!p0 $0xF7A, s2;
	p2 =	seq.s32 @!p0 s5, $0x0  }
0x1f: {  	s9 =	smul.u32 $0xF7A, s1;
	s8 =	simm.s32 @!p0 $0x1BF5;
	p2 =	por !p2, p0  }
0x20: {  	[sflag:s8] =	ssyncset.s32 @!p0 $0xFFFFF086;
	s6 =	sadd.s32 @!p0 s3, s7;
	s7 =	simm.s32 @!p0 $0x108  }
0x21: {  	s3 =	sadd.s32 s3, s9;
	s6 =	sadd.s32 @!p0 $0x88, s6;
	s7 =	simm.s32 @p2 $0x1082  }
0x22: {  	[simem:s7], [sflag:s8] =	dma.local @!p0 [hbm:s6], $0xF7A  }
0x23: {  	s9 =	sor.u32 $0xD0000000, s2;
	s6 =	simm.s32 $0x108;
	_ =	swait.ge @!p0 [sflag:s8], $0x0  }
0x24: {  	s3 =	sadd.s32 $0x88, s3;
	s6 =	simm.s32 @!p1 $0x1082;
	[sflag:s4] =	ssyncset.s32 $0xFFFFF086  }
0x25: {  	[simem:s6], [sflag:s4] =	dma.local [hbm:s3], $0xF7A  }
0x26: {  	[smem:$0x3F9E] =	sst s1;
	(tag) =	ssettag s2;
	_ =	strace s9  }
0x27: {  	s1 =	sld [smem:$0x3FAE]  }
0x28: {  	s2 =	sld [smem:$0x3FAF]  }
0x29: {  	s4 =	sld [smem:$0x3FB1]  }
0x2a: {  	p0 =	seq.s32 s5, $0x0;
	s5 =	sld [smem:$0x3FB2]  }
0x2b: {  	s6 =	sld [smem:$0x3FB3]  }
0x2c: {  	s7 =	sld [smem:$0x3FB4]  }
0x2d: {  	s3 =	simm.s32 $0x108;
	s8 =	sld [smem:$0x3FB5]  }
0x2e: {  	s3 =	simm.s32 @!p0 $0x1082;
	s9 =	sld [smem:$0x3FB6]  }
0x2f: {  	lr =	sadd.s32 s0, s3;
	s0 =	sld [smem:$0x3FAD]  }
0x30: {  	s3 =	sld [smem:$0x3FB0]  }
0x31: {  	[smem:$0x3FB9] =	sst s10  }
0x32: {  	s10 =	sld [smem:$0x3FB7];
	_ =	sdelay $0x3  }
0x33: {  	p0 =	seq.s32 s10, $0x1;
	s10 =	sld [smem:$0x3FB9];
	_ =	sdelay $0x3  }
0x34: {  	[smem:$0x3FB9] =	sst s10  }
0x35: {  	s10 =	sld [smem:$0x3FB8];
	_ =	sdelay $0x3  }
0x36: {  	p1 =	seq.s32 s10, $0x1;
	s10 =	sld [smem:$0x3FB9];
	_ =	sdelay $0x3  }
0x37: {  	[smem:$0x3FB9] =	sst s10  }
0x38: {  	s10 =	sld [smem:$0x3FBA]  }
0x39: {  	_ = 	snop;
	(pc) =	sbr.ind lr, $3  }
0x3a: {  	_ = 	snop  }
0x3b: {  	_ = 	snop  }
0x3c: {  	p2 =	seq.s32 s10, $0x1;
	s10 =	sld [smem:$0x3FB9]  }
0x3d: {  	_ =	shalt  }
0x3e: {  	_ =	shalt  }
0x3f: {  	_ =	shalt  }
0x40: {  	_ =	shalt  }
0x41: {  	_ =	shalt  }
0x42: {  	_ =	shalt  }
0x43: {  	_ =	shalt  }
0x44: {  	_ =	shalt  }
0x45: {  	_ =	shalt  }
0x46: {  	_ =	shalt  }
0x47: {  	_ =	shalt  }
0x48: {  	_ =	shalt  }
0x49: {  	_ =	shalt  }
0x4a: {  	_ =	shalt  }
0x4b: {  	_ =	shalt  }
0x4c: {  	_ =	shalt  }
0x4d: {  	_ =	shalt  }
0x4e: {  	_ =	shalt  }
0x4f: {  	_ =	shalt  }
0x50: {  	_ =	shalt  }
0x51: {  	_ =	shalt  }
0x52: {  	_ =	shalt  }
0x53: {  	_ =	shalt  }
0x54: {  	_ =	shalt  }
0x55: {  	_ =	shalt  }
0x56: {  	_ =	shalt  }
0x57: {  	_ =	shalt  }
0x58: {  	_ =	shalt  }
0x59: {  	_ =	shalt  }
0x5a: {  	_ =	shalt  }
0x5b: {  	_ =	shalt  }
0x5c: {  	_ =	shalt  }
0x5d: {  	_ =	shalt  }
0x5e: {  	_ =	shalt  }
0x5f: {  	_ =	shalt  }
0x60: {  	_ =	shalt  }
0x61: {  	_ =	shalt  }
0x62: {  	_ =	shalt  }
0x63: {  	_ =	shalt  }
0x64: {  	_ =	shalt  }
0x65: {  	_ =	shalt  }
0x66: {  	_ =	shalt  }
0x67: {  	_ =	shalt  }
0x68: {  	_ =	shalt  }
0x69: {  	_ =	shalt  }
0x6a: {  	_ =	shalt  }
0x6b: {  	_ =	shalt  }
0x6c: {  	_ =	shalt  }
0x6d: {  	_ =	shalt  }
0x6e: {  	_ =	shalt  }
0x6f: {  	_ =	shalt  }
0x70: {  	_ =	shalt  }
0x71: {  	_ =	shalt  }
0x72: {  	_ =	shalt  }
0x73: {  	_ =	shalt  }
0x74: {  	_ =	shalt  }
0x75: {  	_ =	shalt  }
0x76: {  	_ =	shalt  }
0x77: {  	_ =	shalt  }
0x78: {  	_ =	shalt  }
0x79: {  	_ =	shalt  }
0x7a: {  	_ =	shalt  }
0x7b: {  	_ =	shalt  }
0x7c: {  	_ =	shalt  }
0x7d: {  	_ =	shalt  }
0x7e: {  	_ =	shalt  }
0x7f: {  	_ =	shalt  }
0x80: {  	_ =	shalt  }
0x81: {  	_ =	shalt  }
0x82: {  	_ =	shalt  }
0x83: {  	_ =	shalt  }
0x84: {  	_ =	shalt  }
0x85: {  	_ =	shalt  }
0x86: {  	_ =	shalt  }
0x87: {  	_ =	shalt  }
.Lfunc_end0:
.L_simem_size_0:
called_computation_lowered:
.L_overlay_start_0:
0x88: {  	s2 =	sld [smem:$0x3FD9]  }
0x89: {  	s3 =	sld [smem:$0x3FFE];
	_ =	sdelay $0x1  }
0x8a: {  	s1 =	srdreg.scid  }
0x8b: {  	s0 =	sand.u32 $0x1, s1  }
0x8c: {  	s17 =	sshll.u32 s0, $0xA;
	s2 =	sadd.s32 s3, s2  }
0x8d: {  	s2 =	sadd.s32 s2, s17  }
0x8e: {  	[smem:$0x3FC5] =	sst s2  }
0x8f: {  	_ = 	snop  }
0x90: {  	s2 =	sld [smem:$0x3FC8];
	(tm) =	ssettm $0x1  }
0x91: {  	s18 =	sld [smem:$0x3FFB];
	_ =	sdelay $0x3  }
0x92: {  	_ =	strace s18  }
0x93: {  	s3 =	sld [smem:$0x3FFC];
	_ =	sdelay $0x3  }
0x94: {  	_ =	strace s3  }
0x95: {  	s3 =	sld [smem:$0x3FFD];
	_ =	sdelay $0x3  }
0x96: {  	_ =	strace s3  }
0x97: {  	_ =	strace $0x8FFFFFFF  }
0x98: {  	s19 =	sld [smem:$0x3FDB];
	_ =	sdelay $0x1  }
0x99: {  	s4 =	simm.s32 $_scs_section_size  }
0x9a: {  	s5 =	simm.s32 $_size__tile_overlayer_lowered;
	s6 =	simm.s32 $_tile_overlayer_lowered  }
0x9b: {  	s22 =	simm.s32 $0x1BFF;
	s21 =	sshll.u32 s6, $0x1;
	s3 =	sadd.s32 s4, s19  }
0x9c: {  	s7 =	simm.s32 $0x0;
	s20 =	sshll.u32 s5, $0x1;
	s5 =	sadd.s32 s21, s3  }
0x9d: {  	[timem:s7], [sflag:s22] =	dma.local [hbm:s5], s20  }
0x9e: {  	_ =	swait.ge [sflag:s22], s20  }
0x9f: {  	s4 =	ssub.s32 $0x0, s20;
	[sflag:s22] =	ssyncset.done $0x0  }
0xa0: {  	[sflag:s22] =	ssyncadd.s32 s4;
	_ =	sdelay $0x1  }
0xa1: {  	s23 =	simm.s32 $0x1B8B  }
0xa2: {  	_ =	swait.ge [sflag:s23], $0x1  }
0xa3: {  	[sflag:s23] =	ssyncset.done $0x0  }
0xa4: {  	s25 =	simm.s32 $0x1B8E;
	s24 =	sld [smem:$0x3FFE];
	[sflag:s23] =	ssyncadd.s32 $0xFFFFFFFF  }
0xa5: {  	s26 =	simm.s32 $execute0_lowered;
	[smem:$0x3FD2] =	sst s25  }
0xa6: {  	s5 =	sshll.u32 s26, $0x1;
	_ =	strace $0x80000046;
	[dreg:$0x1] =	wrdreg $0xFFFFFFFF  }
0xa7: {  	s28 =	simm.s32 $_size_execute0_lowered;
	s3 =	sadd.s32 s3, s5;
	[dreg:$0x0] =	wrdreg $0x0  }
0xa8: {  	s5 =	sshll.u32 s28, $0x1;
	[dreg:$0x2] =	wrdreg s3  }
0xa9: {  	[dreg:$0x3] =	wrdreg s5  }
0xaa: {  	[dreg:$0x4] =	wrdreg $0xC0  }
0xab: {  	_ =	task [dreg:s7], $0x5FFFF  }
0xac: {  	[dreg:$0x1] =	wrdreg $0xFFFFFFFF  }
0xad: {  	[dreg:$0x0] =	wrdreg $0x60  }
0xae: {  	[dreg:$0x2] =	wrdreg s2  }
0xaf: {  	[dreg:$0x3] =	wrdreg s24  }
0xb0: {  	[dreg:$0x4] =	wrdreg $0x9  }
0xb1: {  	_ =	task.clear_ibuf [dreg:s7], $0x5FFFF;
	_ =	strace $0x90000046  }
0xb2: {  	s29 =	simm.s32 $0x9;
	_ =	strace $0x80000048  }
0xb3: {  	_ =	swait.ge [sflag:s29], $0x1  }
0xb4: {  	[sflag:s29] =	ssyncadd.s32 $0xFFFFFFFF  }
0xb5: {  	_ =	strace $0x90000048  }
0xb6: {  	_ =	sfence  }
0xb7: {  	s30 =	sld [smem:$0x0];
	_ =	sdelay $0x2  }
0xb8: {  	s31 =	sshll.u32 s1, $0xD;
	s1 =	sshrl.u32 s1, $0x2  }
0xb9: {  	s3 =	sand.u32 $0x4000, s31;
	s1 =	sadd.s32 s1, s30  }
0xba: {  	s0 =	sor.u32 s3, s0;
	s1 =	sshll.u32 s1, $0x11  }
0xbb: {  	s0 =	sor.u32 s1, s0  }
0xbc: {  	s0 =	sadd.s32 $0x8F2B, s0  }
0xbd: {  	[sflag:s0] =	ssyncadd.remote.s32 $0x1  }
0xbe: {  	_ =	sfence.sel $0xFFFF  }
0xbf: {  	[dreg:$0x0] =	wrdreg $0xFFFFFFFF;
	(pc) =	sbr.abs _section_cstart, $3  }
0xc0: {  	[dreg:$0x1] =	wrdreg $0xFFFFFFFF  }
0xc1: {  	_ =	task.clear_ibuf [dreg:s7], $0x2FFFF;
	_ =	strace $0x9FFFFFFF  }
0xc2: {  	(tm) =	ssettm $0x7FFFFFFF  }
0xc3: {  	_ =	shalt  }
tec
execute0_lowered:
.L_overlay_start_1:
0x0: {  	(tag) =	ssettag $0x1  }
0x1: {  	s4 =	rddreg [dreg:$0x0];
	s1 =	srdreg.scid  }
0x2: {  	s0 =	stileid.u32;
	s3 =	rddreg [dreg:$0x1];
	s10 =	simm.s32 $0x400  }
0x3: {  	s11 =	simm.s32 $0x2;
	s12 =	simm.s32 $0x0;
	s5 =	sand.u32 $0x1, s1  }
0x4: {  	s2 =	sshll.u32 s0, $0x1;
	s1 =	rddreg [dreg:$0x2];
	s7 =	sshrl.u32 s0, $0x2  }
0x5: {  	p0 =	sgt.u32 s0, $0xD;
	s6 =	sor.u32 s5, s2;
	s2 =	simm.s32 $0x0  }
0x6: {  	s7 =	smul.u32 $0x13C00, s7;
	s5 =	ssub.s32 $0x2, s5;
	s8 =	sshll.u32 s6, $0x7  }
0x7: {  	[smem:$0x7FF] =	sst s2;
	s30 =	smul.u32 $0x4E, s6;
	s6 =	smax.u32 s6, $0x1C  }
0x8: {  	s9 =	sshrl.u32 s5, $0x1;
	s8 =	sand.u32 $0x380, s8;
	_ =	strace $0x80000047  }
0x9: {  	s31 =	ssub.s32 s5, s9;
	s9 =	simm.s32 $0x80;
	s7 =	sor.u32 s7, s8  }
0xa: {  	s6 =	sadd.s32 s30, s6;
	s8 =	simm.s32 $0x4F00;
	s7 =	sshrl.u32 s7, $0x3  }
0xb: {  	s6 =	sshll.u32 s6, $0x5;
	s7 =	sadd.s32 s7, s3;
	s3 =	simm.s32 $0x4F  }
0xc: {  	s4 =	sadd.s32 s4, s6;
	s6 =	smax.u32 s31, $0x1;
	s3 =	simm.s32 @!p0 $0x4E  }
0xd: {  	v0 =	vimm.f32 $0.0e+00;
	v1 =	vimm.f32 $1.000000000e+00;
	s4 =	sadd.s32 $0xFFFFFC80, s4;
	s5 =	sadd.s32 $0x1C00, s7;
	s7 =	simm.s32 $0x1  }
.LBB2_1:
0xe: {  	[tilespmem:s2], [sflag:$0x1] =	stream.linear.gather [hbm4b:s4+s2], $0x4F00, $0x38;
	[tilespmem:$0x7680] =	vst v63  }
0xf: {  	s13 =	simm.s32 $0x0;
	s14 =	simm.s32 $0x200  }
.LBB2_2:
0x10: {  	p0 =	sne.s32 s14, $0x9C00;
	[tilespmem:s13+$0x4F70] =	vst v0  }
0x11: {  	[tilespmem:s13+$0x4F00] =	vst v0  }
0x12: {  	[tilespmem:s13+$0x4F10] =	vst v0  }
.Ltmp0:
0x13: {  	[tilespmem:s13+$0x4F20] =	vst v0;
	(pc) =	sbr.rel @p0 .LBB2_2-.Ltmp0, $4  }
0x14: {  	[tilespmem:s13+$0x4F30] =	vst v0  }
0x15: {  	[tilespmem:s13+$0x4F40] =	vst v0  }
0x16: {  	[tilespmem:s13+$0x4F50] =	vst v0  }
0x17: {  	[tilespmem:s13+$0x4F60] =	vst v0;
	s13 =	sshra.s32 s14, $0x2;
	s14 =	sadd.s32 $0x200, s14  }
0x18: {  	[tilespmem:s13+$0x4F70] =	vst v0  }
0x19: {  	[tilespmem:s13+$0x4F00] =	vst v0  }
0x1a: {  	[tilespmem:s13+$0x4F10] =	vst v0  }
0x1b: {  	[tilespmem:s13+$0x4F20] =	vst v0  }
0x1c: {  	[tilespmem:s13+$0x4F30] =	vst v0  }
0x1d: {  	[tilespmem:s13+$0x4F40] =	vst v0  }
0x1e: {  	[tilespmem:s13+$0x4F50] =	vst v0  }
0x1f: {  	[tilespmem:s13+$0x4F60] =	vst v0  }
0x20: {  	_ =	swait.ge [sflag:s7], $0x4F00  }
0x21: {  	[sflag:s7] =	ssyncset.done $0x0  }
0x22: {  	s13 =	simm.s32 $0xF0;
	s14 =	smov.u32 s3;
	[sflag:s7] =	ssyncadd.s32 $0xFFFFB100  }
.LBB2_4:
0x23: {  	v2 =	vld [tilespmem:s13+$0xFFFFFF90];
	_ =	sdelay $0x7  }
0x24: {  	[tilespmem:v2+s8+$0x0] =	vst.idx.add.f32.msk $0xffff, v1  }
0x25: {  	v2 =	vld [tilespmem:s13+$0xFFFFFFA0];
	_ =	sdelay $0x7  }
0x26: {  	[tilespmem:v2+s8+$0x0] =	vst.idx.add.f32.msk $0xffff, v1  }
0x27: {  	v2 =	vld [tilespmem:s13+$0xFFFFFFB0];
	_ =	sdelay $0x7  }
0x28: {  	[tilespmem:v2+s8+$0x0] =	vst.idx.add.f32.msk $0xffff, v1  }
0x29: {  	v2 =	vld [tilespmem:s13+$0xFFFFFFC0];
	_ =	sdelay $0x7  }
0x2a: {  	[tilespmem:v2+s8+$0x0] =	vst.idx.add.f32.msk $0xffff, v1  }
0x2b: {  	v2 =	vld [tilespmem:s13+$0xFFFFFFD0];
	_ =	sdelay $0x7  }
0x2c: {  	[tilespmem:v2+s8+$0x0] =	vst.idx.add.f32.msk $0xffff, v1  }
0x2d: {  	v2 =	vld [tilespmem:s13+$0xFFFFFFE0];
	_ =	sdelay $0x7  }
0x2e: {  	[tilespmem:v2+s8+$0x0] =	vst.idx.add.f32.msk $0xffff, v1  }
0x2f: {  	v2 =	vld [tilespmem:s13+$0xFFFFFFF0];
	_ =	sdelay $0x7  }
0x30: {  	[tilespmem:v2+s8+$0x0] =	vst.idx.add.f32.msk $0xffff, v1  }
0x31: {  	v2 =	vld [tilespmem:s13+$0x0];
	_ =	sdelay $0x2  }
0x32: {  	p0 =	sne.s32 s14, $0x1  }
.Ltmp1:
0x33: {  	_ = 	snop;
	(pc) =	sbr.rel @p0 .LBB2_4-.Ltmp1, $2  }
0x34: {  	_ =	sdelay $0x2  }
0x35: {  	s14 =	sadd.s32 $0xFFFFFFFF, s14;
	s13 =	sadd.s32 $0x100, s13;
	[tilespmem:v2+s8+$0x0] =	vst.idx.add.f32.msk $0xffff, v1  }
0x36: {  	s12 =	sadd.s32 $0x1, s12  }
0x37: {  	p0 =	sne.s32 s12, s6  }
.Ltmp2:
0x38: {  	_ = 	snop;
	(pc) =	sbr.rel @p0 .LBB2_1-.Ltmp2, $4  }
0x39: {  	[hbm4b:s5+s9] =	stream.strided.scatter [tilespmem:s8], [sflag:$0x2], $0x2780, s10, s9, $0x38;
	[tilespmem:$0x7680] =	vst v63  }
0x3a: {  	_ =	swait.ge [sflag:s11], $0x2780  }
0x3b: {  	[sflag:s11] =	ssyncset.done $0x0  }
0x3c: {  	[sflag:s11] =	ssyncadd.s32 $0xFFFFD880  }
0x3d: {  	_ =	sfence.sel $0x180000  }
0x3e: {  	[bflag:$0x0] =	sbarrier.arrive $0xFFFF  }
0x3f: {  	p0 =	sne.s32 s0, $0x0;
	_ =	strace $0x90000047  }
0x40: {  	s0 =	sadd.s32 @!p0 $0x100000, s1;
	[bflag:$0x2] =	sbarrier.arrive $0xFFFF  }
0x41: {  	[sflag:s0] =	ssyncadd.tile.s32 @!p0 $0x1;
	_ =	shalt  }
.Lfunc_end2:
_tile_overlayer_lowered:
.L_overlay_start_2:
0x42: {  	(tag) =	ssettag $0x2  }
0x43: {  	s0 =	rddreg [dreg:$0x0];
	s2 =	stileid.u32  }
0x44: {  	s1 =	rddreg [dreg:$0x1];
	p0 =	sne.s32 s2, $0x0  }
0x45: {  	s3 =	rddreg [dreg:$0x2];
	[bflag:$0x3] =	sbarrier.arrive $0xFFFF;
	s2 =	simm.s32 @!p0 $0x1C02  }
0x46: {  	[timem:s3], [sflag:s2] =	dma.local @!p0 [hbm:s0], s1  }
0x47: {  	s0 =	simm.s32 @!p0 $0x2  }
0x48: {  	_ =	swait.ge @!p0 [sflag:s0], s1  }
0x49: {  	s1 =	ssub.s32 @!p0 $0x0, s1;
	[sflag:s0] =	ssyncset.done @!p0 $0x0  }
0x4a: {  	[sflag:s0] =	ssyncadd.s32 @!p0 s1  }
0x4b: {  	[bflag:$0x3] =	sbarrier.arrive $0xFFFF  }
0x4c: {  	_ =	shalt  }

</sc_bundles>
